<compile_context>
chip_gen: v7x
topology: tpu7x:2x2x1
jax: 0.10.2.dev20260603
libtpu: 0.0.44.dev20260713+nightly
codegen_flags: <defaults>
</compile_context>

<pallas_src>
import functools

import jax
import jax.numpy as jnp
from jax import lax
from jax.experimental import pallas as pl
from jax.experimental.pallas import tpu as pltpu
from jax.experimental.pallas import tpu_sc as plsc

CTX = 200
EMBED = 128
K = CTX * EMBED
HID = 128
NTRANS = 100000

TPB = 40
KBN = CTX // TPB
BN = 25600
NBN = -(-NTRANS // BN)
LGR = 8


def _sc_gather(emb, idx):
    bpw = 16
    nfull = CTX // bpw
    rem = CTX - nfull * bpw
    d = emb.shape[1]
    mesh = plsc.VectorSubcoreMesh(core_axis_name="c", subcore_axis_name="s",
                                  num_cores=1)

    @functools.partial(
        pl.kernel,
        mesh=mesh,
        out_type=jax.ShapeDtypeStruct((CTX, d), jnp.float32),
        scratch_types=[
            pltpu.VMEM((bpw,), jnp.int32),
            pltpu.VMEM((bpw, d), jnp.float32),
            pltpu.VMEM((rem,), jnp.int32),
            pltpu.VMEM((rem, d), jnp.float32),
            pltpu.SemaphoreType.DMA,
        ],
        compiler_params=pltpu.CompilerParams(use_tc_tiling_on_sc=True),
    )
    def gather_k(emb_hbm, idx_hbm, out_hbm, idx_v, rows_v, idx_r, rows_r,
                 sem):
        wid = lax.axis_index("s")

        @pl.when(wid < nfull)
        def _():
            base = wid * bpw
            pltpu.sync_copy(idx_hbm.at[pl.ds(base, bpw)], idx_v)
            pltpu.async_copy(emb_hbm.at[idx_v], rows_v, sem).wait()
            pltpu.sync_copy(rows_v, out_hbm.at[pl.ds(base, bpw)])

        @pl.when(wid == nfull)
        def _():
            base = nfull * bpw
            pltpu.sync_copy(idx_hbm.at[pl.ds(base, rem)], idx_r)
            pltpu.async_copy(emb_hbm.at[idx_r], rows_r, sem).wait()
            pltpu.sync_copy(rows_r, out_hbm.at[pl.ds(base, rem)])

    return gather_k(emb, idx)


def _mlp_body(e_ref, w1_ref, b1_ref, w2_ref, b2_ref, out_ref,
              h_ref, m_ref, s_ref, lg_ref):
    i = pl.program_id(0)

    @pl.when(i == 0)
    def _init():
        h_ref[...] = jnp.zeros_like(h_ref)

    @pl.when(i < KBN)
    def _phase_a():
        acc0 = h_ref[...]
        acc1 = jnp.zeros((1, HID), jnp.float32)
        for t in range(0, TPB, 2):
            acc0 += jnp.dot(e_ref[t:t + 1, :], w1_ref[t],
                            preferred_element_type=jnp.float32)
            acc1 += jnp.dot(e_ref[t + 1:t + 2, :], w1_ref[t + 1],
                            preferred_element_type=jnp.float32)
        h_ref[...] = acc0 + acc1

    @pl.when(i == KBN - 1)
    def _finish_h():
        h_ref[...] = jnp.maximum(h_ref[...] + b1_ref[...].reshape(1, HID),
                                 0.0)

    @pl.when((i >= KBN) & (i < KBN + NBN))
    def _phase_b():
        j = i - KBN
        o = (lax.dot_general(h_ref[...], w2_ref[...],
                             (((1,), (1,)), ((), ())),
                             preferred_element_type=jnp.float32)
             + b2_ref[...].reshape(1, BN))
        tail = NBN * BN - NTRANS
        o = jnp.where(
            (j < NBN - 1)
            | (lax.broadcasted_iota(jnp.int32, (1, BN), 1) < BN - tail),
            o, -jnp.inf)
        lg_ref[pl.ds(j, 1), :] = o
        bm = jnp.max(o)
        bs = jnp.sum(jnp.exp(o - bm))
        bm_v = jnp.full((1, HID), bm, jnp.float32)
        bs_v = jnp.full((1, HID), bs, jnp.float32)

        @pl.when(j == 0)
        def _first():
            m_ref[...] = bm_v
            s_ref[...] = bs_v

        @pl.when(j > 0)
        def _combine():
            m_old = m_ref[...]
            m_new = jnp.maximum(m_old, bm_v)
            s_ref[...] = (s_ref[...] * jnp.exp(m_old - m_new)
                          + bs_v * jnp.exp(bm_v - m_new))
            m_ref[...] = m_new

        @pl.when(i == KBN + NBN - 1)
        def _final():
            m_ref[...] = m_ref[...] + jnp.log(s_ref[...])

    @pl.when(i >= KBN + NBN)
    def _phase_c():
        c = i - KBN - NBN
        out_ref[...] = lg_ref[pl.ds(c, 1), :] - m_ref[0, 0]


def _mlp_logprobs(rows, w1_3d, b1, w2t, b2):
    return pl.pallas_call(
        _mlp_body,
        grid=(KBN + 2 * NBN,),
        in_specs=[
            pl.BlockSpec((TPB, EMBED), lambda i: (jnp.minimum(i, KBN - 1), 0)),
            pl.BlockSpec((TPB, EMBED, HID),
                         lambda i: (jnp.minimum(i, KBN - 1), 0, 0)),
            pl.BlockSpec((HID,), lambda i: (0,)),
            pl.BlockSpec((BN, HID),
                         lambda i: (jnp.clip(i - KBN, 0, NBN - 1), 0)),
            pl.BlockSpec((BN,),
                         lambda i: (jnp.clip(i - KBN, 0, NBN - 1),)),
        ],
        out_specs=pl.BlockSpec((1, BN),
                               lambda i: (0, jnp.maximum(i - KBN - NBN, 0))),
        out_shape=jax.ShapeDtypeStruct((1, NTRANS), jnp.float32),
        scratch_shapes=[
            pltpu.VMEM((1, HID), jnp.float32),
            pltpu.VMEM((1, HID), jnp.float32),
            pltpu.VMEM((1, HID), jnp.float32),
            pltpu.VMEM((LGR, BN), jnp.float32),
        ],
        compiler_params=pltpu.CompilerParams(
            vmem_limit_bytes=112 * 1024 * 1024),
    )(rows, w1_3d, b1, w2t, b2)


def kernel(x, emb, W1, b1, W2, b2):
    rows = _sc_gather(emb, x.astype(jnp.int32))
    return _mlp_logprobs(rows, W1.reshape(CTX, EMBED, HID), b1, W2.T, b2)

# --- scband reference (transcript-rebuilt; emitter-appended) ---
"""Pipeline reference for scband-model-52596169507129 (READ-ONLY COPY).

The authoritative reference and input builder live on the scoring server;
editing this copy changes nothing except your own understanding.
"""

import jax, jax.numpy as jnp
import numpy as np

VOCAB = 100000
EMBED = 128
CTX = 200
NTRANS = 100000
HID = 128

def setup_inputs(seed: int = 0) -> dict:
    key = jax.random.key(seed)
    k1, k2, k3, k4, k5, k6 = jax.random.split(key, 6)
    x = jax.random.randint(k1, (CTX,), 0, VOCAB, dtype=jnp.int64) if jax.config.jax_enable_x64 else jax.random.randint(k1, (CTX,), 0, VOCAB, dtype=jnp.int32)
    emb = jax.random.normal(k2, (VOCAB, EMBED), dtype=jnp.float32) * 0.02
    W1 = jax.random.normal(k3, (CTX * EMBED, HID), dtype=jnp.float32) * 0.02
    b1 = jnp.zeros((HID,), dtype=jnp.float32)
    W2 = jax.random.normal(k4, (HID, NTRANS), dtype=jnp.float32) * 0.02
    b2 = jnp.zeros((NTRANS,), dtype=jnp.float32)
    return {"x": x, "emb": emb, "W1": W1, "b1": b1, "W2": W2, "b2": b2}

def reference(x, emb, W1, b1, W2, b2):
    embeds = jnp.take(emb, x, axis=0).reshape((1, -1))
    out = jax.nn.relu(embeds @ W1 + b1)
    out = out @ W2 + b2
    log_probs = out - jax.scipy.special.logsumexp(out, axis=1, keepdims=True)
    return log_probs

if __name__ == "__main__":
    import jax
    _d = setup_inputs()
    print(jax.jit(kernel)(*tuple(_d.values())))

</pallas_src>

<mosaic_0001>
#map = affine_map<(d0, d1) -> (0, 0)>
#map1 = affine_map<(d0, d1) -> (0)>
module attributes {stable_mosaic.version = 14 : i64} {
  func.func @gather_k(%arg0: i32, %arg1: i32, %arg2: memref<100000x128xf32, #tpu.memory_space<hbm>>, %arg3: memref<200xi32, #tpu.memory_space<hbm>>, %arg4: memref<200x128xf32, #tpu.memory_space<hbm>>, %arg5: memref<16xi32, #tpu.memory_space<vmem>>, %arg6: memref<16x128xf32, #tpu.memory_space<vmem>>, %arg7: memref<8xi32, #tpu.memory_space<vmem>>, %arg8: memref<8x128xf32, #tpu.memory_space<vmem>>, %arg9: memref<!tpu.dma_semaphore, #tpu.memory_space<semaphore_mem>>) attributes {dimension_semantics = [#tpu.dimension_semantics<core_parallel>, #tpu.dimension_semantics<subcore_parallel>], iteration_bounds = array<i64: 1, 16>, scalar_prefetch = 0 : i64, scratch_operands = 5 : i64, tpu.core_type = #tpu.core_type<sc_vector_subcore>, window_params = [{transform_indices = #map}, {transform_indices = #map1}, {transform_indices = #map}]} {
    %lt3A = arith.constant 12 : i32
    %lt3A_0 = arith.cmpi slt, %arg1, %lt3A : i32
    %convert_element_type3A = arith.extui %lt3A_0 : i1 to i32
    %cond3A = arith.constant 0 : i32
    %cond3A_1 = arith.cmpi ne, %convert_element_type3A, %cond3A : i32
    scf.if %cond3A_1 {
      %mul3A = arith.constant 16 : i32
      %mul3A_6 = arith.muli %arg1, %mul3A : i32
      "tpu.region"() ({
        %run_scoped3A = tpu.sem_alloc : memref<!tpu.dma_semaphore, #tpu.memory_space<semaphore_mem>>
        %dma_start3A_11 = tpu.memref_slice %arg3[%mul3A_6] : memref<200xi32, #tpu.memory_space<hbm>> -> memref<16xi32, #tpu.memory_space<hbm>>
        %dma_start3A_12 = tpu.memref_slice %arg3[%mul3A_6] : memref<200xi32, #tpu.memory_space<hbm>> -> memref<16xi32, #tpu.memory_space<hbm>>
        tpu.enqueue_dma source(%dma_start3A_12 : memref<16xi32, #tpu.memory_space<hbm>>) target(%arg5 : memref<16xi32, #tpu.memory_space<vmem>>) target_semaphore(%run_scoped3A : memref<!tpu.dma_semaphore, #tpu.memory_space<semaphore_mem>>)
        %dma_wait3A_13 = tpu.memref_slice %arg3[%mul3A_6] : memref<200xi32, #tpu.memory_space<hbm>> -> memref<16xi32, #tpu.memory_space<hbm>>
        %dma_wait3A_14 = tpu.memref_slice %arg3[%mul3A_6] : memref<200xi32, #tpu.memory_space<hbm>> -> memref<16xi32, #tpu.memory_space<hbm>>
        tpu.wait_dma2 semaphore(%run_scoped3A : memref<!tpu.dma_semaphore, #tpu.memory_space<semaphore_mem>>) src(%dma_wait3A_14 : memref<16xi32, #tpu.memory_space<hbm>>) dst(%arg5 : memref<16xi32, #tpu.memory_space<vmem>>)
        tpu.yield
      }) : () -> ()
      %dma_start3A = arith.constant 0 : i32
      %dma_start3A_7 = arith.constant 0 : i32
      %dma_start3A_8 = tpu.memref_slice %arg2[%dma_start3A, %dma_start3A_7] : memref<100000x128xf32, #tpu.memory_space<hbm>> -> memref<100000x128xf32, #tpu.memory_space<hbm>>
      tpu.enqueue_indirect_dma source(%dma_start3A_8 : memref<100000x128xf32, #tpu.memory_space<hbm>>) target(%arg6 : memref<16x128xf32, #tpu.memory_space<vmem>>) offsets(%arg5 : memref<16xi32, #tpu.memory_space<vmem>>) semaphore(%arg9 : memref<!tpu.dma_semaphore, #tpu.memory_space<semaphore_mem>>)
      %dma_wait3A = arith.constant 0 : i32
      %dma_wait3A_9 = arith.constant 0 : i32
      %dma_wait3A_10 = tpu.memref_slice %arg2[%dma_wait3A, %dma_wait3A_9] : memref<100000x128xf32, #tpu.memory_space<hbm>> -> memref<100000x128xf32, #tpu.memory_space<hbm>>
      tpu.wait_indirect_dma semaphore(%arg9 : memref<!tpu.dma_semaphore, #tpu.memory_space<semaphore_mem>>) src(%dma_wait3A_10 : memref<100000x128xf32, #tpu.memory_space<hbm>>) dst(%arg6 : memref<16x128xf32, #tpu.memory_space<vmem>>)
      "tpu.region"() ({
        %run_scoped3A = tpu.sem_alloc : memref<!tpu.dma_semaphore, #tpu.memory_space<semaphore_mem>>
        %dma_start3A_11 = arith.constant 0 : i32
        %dma_start3A_12 = tpu.memref_slice %arg4[%mul3A_6, %dma_start3A_11] : memref<200x128xf32, #tpu.memory_space<hbm>> -> memref<16x128xf32, #tpu.memory_space<hbm>>
        %dma_start3A_13 = arith.constant 0 : i32
        %dma_start3A_14 = tpu.memref_slice %arg4[%mul3A_6, %dma_start3A_13] : memref<200x128xf32, #tpu.memory_space<hbm>> -> memref<16x128xf32, #tpu.memory_space<hbm>>
        tpu.enqueue_dma source(%arg6 : memref<16x128xf32, #tpu.memory_space<vmem>>) target(%dma_start3A_14 : memref<16x128xf32, #tpu.memory_space<hbm>>) target_semaphore(%run_scoped3A : memref<!tpu.dma_semaphore, #tpu.memory_space<semaphore_mem>>)
        %dma_wait3A_15 = arith.constant 0 : i32
        %dma_wait3A_16 = tpu.memref_slice %arg4[%mul3A_6, %dma_wait3A_15] : memref<200x128xf32, #tpu.memory_space<hbm>> -> memref<16x128xf32, #tpu.memory_space<hbm>>
        %dma_wait3A_17 = arith.constant 0 : i32
        %dma_wait3A_18 = tpu.memref_slice %arg4[%mul3A_6, %dma_wait3A_17] : memref<200x128xf32, #tpu.memory_space<hbm>> -> memref<16x128xf32, #tpu.memory_space<hbm>>
        tpu.wait_dma2 semaphore(%run_scoped3A : memref<!tpu.dma_semaphore, #tpu.memory_space<semaphore_mem>>) src(%arg6 : memref<16x128xf32, #tpu.memory_space<vmem>>) dst(%dma_wait3A_18 : memref<16x128xf32, #tpu.memory_space<hbm>>)
        tpu.yield
      }) : () -> ()
    } else {
    }
    %eq3A = arith.constant 12 : i32
    %eq3A_2 = arith.cmpi eq, %arg1, %eq3A : i32
    %convert_element_type3A_3 = arith.extui %eq3A_2 : i1 to i32
    %cond3A_4 = arith.constant 0 : i32
    %cond3A_5 = arith.cmpi ne, %convert_element_type3A_3, %cond3A_4 : i32
    scf.if %cond3A_5 {
      "tpu.region"() ({
        %run_scoped3A = tpu.sem_alloc : memref<!tpu.dma_semaphore, #tpu.memory_space<semaphore_mem>>
        %dma_start3A_10 = arith.constant 192 : i32
        %dma_start3A_11 = tpu.memref_slice %arg3[%dma_start3A_10] : memref<200xi32, #tpu.memory_space<hbm>> -> memref<8xi32, #tpu.memory_space<hbm>>
        %dma_start3A_12 = arith.constant 192 : i32
        %dma_start3A_13 = tpu.memref_slice %arg3[%dma_start3A_12] : memref<200xi32, #tpu.memory_space<hbm>> -> memref<8xi32, #tpu.memory_space<hbm>>
        tpu.enqueue_dma source(%dma_start3A_13 : memref<8xi32, #tpu.memory_space<hbm>>) target(%arg7 : memref<8xi32, #tpu.memory_space<vmem>>) target_semaphore(%run_scoped3A : memref<!tpu.dma_semaphore, #tpu.memory_space<semaphore_mem>>)
        %dma_wait3A_14 = arith.constant 192 : i32
        %dma_wait3A_15 = tpu.memref_slice %arg3[%dma_wait3A_14] : memref<200xi32, #tpu.memory_space<hbm>> -> memref<8xi32, #tpu.memory_space<hbm>>
        %dma_wait3A_16 = arith.constant 192 : i32
        %dma_wait3A_17 = tpu.memref_slice %arg3[%dma_wait3A_16] : memref<200xi32, #tpu.memory_space<hbm>> -> memref<8xi32, #tpu.memory_space<hbm>>
        tpu.wait_dma2 semaphore(%run_scoped3A : memref<!tpu.dma_semaphore, #tpu.memory_space<semaphore_mem>>) src(%dma_wait3A_17 : memref<8xi32, #tpu.memory_space<hbm>>) dst(%arg7 : memref<8xi32, #tpu.memory_space<vmem>>)
        tpu.yield
      }) : () -> ()
      %dma_start3A = arith.constant 0 : i32
      %dma_start3A_6 = arith.constant 0 : i32
      %dma_start3A_7 = tpu.memref_slice %arg2[%dma_start3A, %dma_start3A_6] : memref<100000x128xf32, #tpu.memory_space<hbm>> -> memref<100000x128xf32, #tpu.memory_space<hbm>>
      tpu.enqueue_indirect_dma source(%dma_start3A_7 : memref<100000x128xf32, #tpu.memory_space<hbm>>) target(%arg8 : memref<8x128xf32, #tpu.memory_space<vmem>>) offsets(%arg7 : memref<8xi32, #tpu.memory_space<vmem>>) semaphore(%arg9 : memref<!tpu.dma_semaphore, #tpu.memory_space<semaphore_mem>>)
      %dma_wait3A = arith.constant 0 : i32
      %dma_wait3A_8 = arith.constant 0 : i32
      %dma_wait3A_9 = tpu.memref_slice %arg2[%dma_wait3A, %dma_wait3A_8] : memref<100000x128xf32, #tpu.memory_space<hbm>> -> memref<100000x128xf32, #tpu.memory_space<hbm>>
      tpu.wait_indirect_dma semaphore(%arg9 : memref<!tpu.dma_semaphore, #tpu.memory_space<semaphore_mem>>) src(%dma_wait3A_9 : memref<100000x128xf32, #tpu.memory_space<hbm>>) dst(%arg8 : memref<8x128xf32, #tpu.memory_space<vmem>>)
      "tpu.region"() ({
        %run_scoped3A = tpu.sem_alloc : memref<!tpu.dma_semaphore, #tpu.memory_space<semaphore_mem>>
        %dma_start3A_10 = arith.constant 192 : i32
        %dma_start3A_11 = arith.constant 0 : i32
        %dma_start3A_12 = tpu.memref_slice %arg4[%dma_start3A_10, %dma_start3A_11] : memref<200x128xf32, #tpu.memory_space<hbm>> -> memref<8x128xf32, #tpu.memory_space<hbm>>
        %dma_start3A_13 = arith.constant 192 : i32
        %dma_start3A_14 = arith.constant 0 : i32
        %dma_start3A_15 = tpu.memref_slice %arg4[%dma_start3A_13, %dma_start3A_14] : memref<200x128xf32, #tpu.memory_space<hbm>> -> memref<8x128xf32, #tpu.memory_space<hbm>>
        tpu.enqueue_dma source(%arg8 : memref<8x128xf32, #tpu.memory_space<vmem>>) target(%dma_start3A_15 : memref<8x128xf32, #tpu.memory_space<hbm>>) target_semaphore(%run_scoped3A : memref<!tpu.dma_semaphore, #tpu.memory_space<semaphore_mem>>)
        %dma_wait3A_16 = arith.constant 192 : i32
        %dma_wait3A_17 = arith.constant 0 : i32
        %dma_wait3A_18 = tpu.memref_slice %arg4[%dma_wait3A_16, %dma_wait3A_17] : memref<200x128xf32, #tpu.memory_space<hbm>> -> memref<8x128xf32, #tpu.memory_space<hbm>>
        %dma_wait3A_19 = arith.constant 192 : i32
        %dma_wait3A_20 = arith.constant 0 : i32
        %dma_wait3A_21 = tpu.memref_slice %arg4[%dma_wait3A_19, %dma_wait3A_20] : memref<200x128xf32, #tpu.memory_space<hbm>> -> memref<8x128xf32, #tpu.memory_space<hbm>>
        tpu.wait_dma2 semaphore(%run_scoped3A : memref<!tpu.dma_semaphore, #tpu.memory_space<semaphore_mem>>) src(%arg8 : memref<8x128xf32, #tpu.memory_space<vmem>>) dst(%dma_wait3A_21 : memref<8x128xf32, #tpu.memory_space<hbm>>)
        tpu.yield
      }) : () -> ()
    } else {
    }
    return
  }
}

module attributes {stable_mosaic.version = 14 : i64} {
  func.func @_mlp_body(%arg0: i32, %arg1: memref<40x128xf32, #tpu.memory_space<vmem>>, %arg2: memref<40x128x128xf32, #tpu.memory_space<vmem>>, %arg3: memref<128xf32, #tpu.memory_space<vmem>>, %arg4: memref<25600x128xf32, #tpu.memory_space<vmem>>, %arg5: memref<25600xf32, #tpu.memory_space<vmem>>, %arg6: memref<1x25600xf32, #tpu.memory_space<vmem>>, %arg7: memref<1x128xf32, #tpu.memory_space<vmem>>, %arg8: memref<1x128xf32, #tpu.memory_space<vmem>>, %arg9: memref<1x128xf32, #tpu.memory_space<vmem>>, %arg10: memref<8x25600xf32, #tpu.memory_space<vmem>>) attributes {dimension_semantics = [#tpu.dimension_semantics<arbitrary>], iteration_bounds = array<i64: 13>, scalar_prefetch = 0 : i64, scratch_operands = 4 : i64, tpu.core_type = #tpu.core_type<tc>, window_params = [{transform_indices = @transform_0, window_bounds = array<i64: 40, 128>}, {transform_indices = @transform_1, window_bounds = array<i64: 40, 128, 128>}, {pipeline_mode = #tpu.pipeline_mode<synchronous>, transform_indices = @transform_2, window_bounds = array<i64: 128>}, {transform_indices = @transform_3, window_bounds = array<i64: 25600, 128>}, {transform_indices = @transform_4, window_bounds = array<i64: 25600>}, {transform_indices = @transform_5, window_bounds = array<i64: 1, 25600>}]} {
    %eq3A = arith.constant 0 : i32
    %eq3A_0 = arith.cmpi eq, %arg0, %eq3A : i32
    %convert_element_type3A = arith.extui %eq3A_0 : i1 to i32
    %cond3A = arith.constant 0 : i32
    %cond3A_1 = arith.cmpi ne, %convert_element_type3A, %cond3A : i32
    scf.if %cond3A_1 {
      %broadcast_in_dim3A = arith.constant 0.000000e+00 : f32
      %broadcast_in_dim3A_22 = vector.broadcast %broadcast_in_dim3A : f32 to vector<1x128xf32>
      %swap3A = arith.constant 0 : index
      %swap3A_23 = arith.constant 0 : index
      %swap3A_24 = vector.load %arg7[%swap3A, %swap3A_23] : memref<1x128xf32, #tpu.memory_space<vmem>>, vector<1x128xf32>
      tpu.vector_store %arg7[%swap3A, %swap3A_23], %broadcast_in_dim3A_22 {strides = array<i32>} : memref<1x128xf32, #tpu.memory_space<vmem>>, vector<1x128xf32>,
    } else {
    }
    %lt3A = arith.constant 5 : i32
    %lt3A_2 = arith.cmpi slt, %arg0, %lt3A : i32
    %convert_element_type3A_3 = arith.extui %lt3A_2 : i1 to i32
    %cond3A_4 = arith.constant 0 : i32
    %cond3A_5 = arith.cmpi ne, %convert_element_type3A_3, %cond3A_4 : i32
    scf.if %cond3A_5 {
      %get3A = arith.constant 0 : index
      %get3A_22 = arith.constant 0 : index
      %get3A_23 = vector.load %arg7[%get3A, %get3A_22] : memref<1x128xf32, #tpu.memory_space<vmem>>, vector<1x128xf32>
      %broadcast_in_dim3A = arith.constant 0.000000e+00 : f32
      %broadcast_in_dim3A_24 = vector.broadcast %broadcast_in_dim3A : f32 to vector<1x128xf32>
      %get3A_25 = arith.constant 0 : index
      %get3A_26 = arith.constant 0 : index
      %get3A_27 = vector.load %arg1[%get3A_25, %get3A_26] : memref<40x128xf32, #tpu.memory_space<vmem>>, vector<1x128xf32>
      %get3A_28 = arith.constant 0 : index
      %get3A_29 = arith.constant 0 : index
      %get3A_30 = arith.constant 0 : index
      %get3A_31 = vector.load %arg2[%get3A_28, %get3A_29, %get3A_30] : memref<40x128x128xf32, #tpu.memory_space<vmem>>, vector<1x128x128xf32>
      %get3A_32 = vector.shape_cast %get3A_31 : vector<1x128x128xf32> to vector<128x128xf32>
      %dot_general3A = arith.constant dense<0.000000e+00> : vector<1x128xf32>
      %dot_general3A_33 = tpu.matmul %get3A_27, %get3A_32, %dot_general3A {dimension_numbers = #tpu.dot_dimension_numbers<[1], [0], [0], [1], [0, 0, 1, 1], [], []>, transpose_lhs_hint = false} : vector<1x128xf32>, vector<128x128xf32>, vector<1x128xf32> -> vector<1x128xf32>
      %add3A = arith.addf %get3A_23, %dot_general3A_33 : vector<1x128xf32>
      %get3A_34 = arith.constant 1 : index
      %get3A_35 = arith.constant 0 : index
      %get3A_36 = vector.load %arg1[%get3A_34, %get3A_35] : memref<40x128xf32, #tpu.memory_space<vmem>>, vector<1x128xf32>
      %get3A_37 = arith.constant 1 : index
      %get3A_38 = arith.constant 0 : index
      %get3A_39 = arith.constant 0 : index
      %get3A_40 = vector.load %arg2[%get3A_37, %get3A_38, %get3A_39] : memref<40x128x128xf32, #tpu.memory_space<vmem>>, vector<1x128x128xf32>
      %get3A_41 = vector.shape_cast %get3A_40 : vector<1x128x128xf32> to vector<128x128xf32>
      %dot_general3A_42 = arith.constant dense<0.000000e+00> : vector<1x128xf32>
      %dot_general3A_43 = tpu.matmul %get3A_36, %get3A_41, %dot_general3A_42 {dimension_numbers = #tpu.dot_dimension_numbers<[1], [0], [0], [1], [0, 0, 1, 1], [], []>, transpose_lhs_hint = false} : vector<1x128xf32>, vector<128x128xf32>, vector<1x128xf32> -> vector<1x128xf32>
      %add3A_44 = arith.addf %broadcast_in_dim3A_24, %dot_general3A_43 : vector<1x128xf32>
      %get3A_45 = arith.constant 2 : index
      %get3A_46 = arith.constant 0 : index
      %get3A_47 = vector.load %arg1[%get3A_45, %get3A_46] : memref<40x128xf32, #tpu.memory_space<vmem>>, vector<1x128xf32>
      %get3A_48 = arith.constant 2 : index
      %get3A_49 = arith.constant 0 : index
      %get3A_50 = arith.constant 0 : index
      %get3A_51 = vector.load %arg2[%get3A_48, %get3A_49, %get3A_50] : memref<40x128x128xf32, #tpu.memory_space<vmem>>, vector<1x128x128xf32>
      %get3A_52 = vector.shape_cast %get3A_51 : vector<1x128x128xf32> to vector<128x128xf32>
      %dot_general3A_53 = arith.constant dense<0.000000e+00> : vector<1x128xf32>
      %dot_general3A_54 = tpu.matmul %get3A_47, %get3A_52, %dot_general3A_53 {dimension_numbers = #tpu.dot_dimension_numbers<[1], [0], [0], [1], [0, 0, 1, 1], [], []>, transpose_lhs_hint = false} : vector<1x128xf32>, vector<128x128xf32>, vector<1x128xf32> -> vector<1x128xf32>
      %add3A_55 = arith.addf %add3A, %dot_general3A_54 : vector<1x128xf32>
      %get3A_56 = arith.constant 3 : index
      %get3A_57 = arith.constant 0 : index
      %get3A_58 = vector.load %arg1[%get3A_56, %get3A_57] : memref<40x128xf32, #tpu.memory_space<vmem>>, vector<1x128xf32>
      %get3A_59 = arith.constant 3 : index
      %get3A_60 = arith.constant 0 : index
      %get3A_61 = arith.constant 0 : index
      %get3A_62 = vector.load %arg2[%get3A_59, %get3A_60, %get3A_61] : memref<40x128x128xf32, #tpu.memory_space<vmem>>, vector<1x128x128xf32>
      %get3A_63 = vector.shape_cast %get3A_62 : vector<1x128x128xf32> to vector<128x128xf32>
      %dot_general3A_64 = arith.constant dense<0.000000e+00> : vector<1x128xf32>
      %dot_general3A_65 = tpu.matmul %get3A_58, %get3A_63, %dot_general3A_64 {dimension_numbers = #tpu.dot_dimension_numbers<[1], [0], [0], [1], [0, 0, 1, 1], [], []>, transpose_lhs_hint = false} : vector<1x128xf32>, vector<128x128xf32>, vector<1x128xf32> -> vector<1x128xf32>
      %add3A_66 = arith.addf %add3A_44, %dot_general3A_65 : vector<1x128xf32>
      %get3A_67 = arith.constant 4 : index
      %get3A_68 = arith.constant 0 : index
      %get3A_69 = vector.load %arg1[%get3A_67, %get3A_68] : memref<40x128xf32, #tpu.memory_space<vmem>>, vector<1x128xf32>
      %get3A_70 = arith.constant 4 : index
      %get3A_71 = arith.constant 0 : index
      %get3A_72 = arith.constant 0 : index
      %get3A_73 = vector.load %arg2[%get3A_70, %get3A_71, %get3A_72] : memref<40x128x128xf32, #tpu.memory_space<vmem>>, vector<1x128x128xf32>
      %get3A_74 = vector.shape_cast %get3A_73 : vector<1x128x128xf32> to vector<128x128xf32>
      %dot_general3A_75 = arith.constant dense<0.000000e+00> : vector<1x128xf32>
      %dot_general3A_76 = tpu.matmul %get3A_69, %get3A_74, %dot_general3A_75 {dimension_numbers = #tpu.dot_dimension_numbers<[1], [0], [0], [1], [0, 0, 1, 1], [], []>, transpose_lhs_hint = false} : vector<1x128xf32>, vector<128x128xf32>, vector<1x128xf32> -> vector<1x128xf32>
      %add3A_77 = arith.addf %add3A_55, %dot_general3A_76 : vector<1x128xf32>
      %get3A_78 = arith.constant 5 : index
      %get3A_79 = arith.constant 0 : index
      %get3A_80 = vector.load %arg1[%get3A_78, %get3A_79] : memref<40x128xf32, #tpu.memory_space<vmem>>, vector<1x128xf32>
      %get3A_81 = arith.constant 5 : index
      %get3A_82 = arith.constant 0 : index
      %get3A_83 = arith.constant 0 : index
      %get3A_84 = vector.load %arg2[%get3A_81, %get3A_82, %get3A_83] : memref<40x128x128xf32, #tpu.memory_space<vmem>>, vector<1x128x128xf32>
      %get3A_85 = vector.shape_cast %get3A_84 : vector<1x128x128xf32> to vector<128x128xf32>
      %dot_general3A_86 = arith.constant dense<0.000000e+00> : vector<1x128xf32>
      %dot_general3A_87 = tpu.matmul %get3A_80, %get3A_85, %dot_general3A_86 {dimension_numbers = #tpu.dot_dimension_numbers<[1], [0], [0], [1], [0, 0, 1, 1], [], []>, transpose_lhs_hint = false} : vector<1x128xf32>, vector<128x128xf32>, vector<1x128xf32> -> vector<1x128xf32>
      %add3A_88 = arith.addf %add3A_66, %dot_general3A_87 : vector<1x128xf32>
      %get3A_89 = arith.constant 6 : index
      %get3A_90 = arith.constant 0 : index
      %get3A_91 = vector.load %arg1[%get3A_89, %get3A_90] : memref<40x128xf32, #tpu.memory_space<vmem>>, vector<1x128xf32>
      %get3A_92 = arith.constant 6 : index
      %get3A_93 = arith.constant 0 : index
      %get3A_94 = arith.constant 0 : index
      %get3A_95 = vector.load %arg2[%get3A_92, %get3A_93, %get3A_94] : memref<40x128x128xf32, #tpu.memory_space<vmem>>, vector<1x128x128xf32>
      %get3A_96 = vector.shape_cast %get3A_95 : vector<1x128x128xf32> to vector<128x128xf32>
      %dot_general3A_97 = arith.constant dense<0.000000e+00> : vector<1x128xf32>
      %dot_general3A_98 = tpu.matmul %get3A_91, %get3A_96, %dot_general3A_97 {dimension_numbers = #tpu.dot_dimension_numbers<[1], [0], [0], [1], [0, 0, 1, 1], [], []>, transpose_lhs_hint = false} : vector<1x128xf32>, vector<128x128xf32>, vector<1x128xf32> -> vector<1x128xf32>
      %add3A_99 = arith.addf %add3A_77, %dot_general3A_98 : vector<1x128xf32>
      %get3A_100 = arith.constant 7 : index
      %get3A_101 = arith.constant 0 : index
      %get3A_102 = vector.load %arg1[%get3A_100, %get3A_101] : memref<40x128xf32, #tpu.memory_space<vmem>>, vector<1x128xf32>
      %get3A_103 = arith.constant 7 : index
      %get3A_104 = arith.constant 0 : index
      %get3A_105 = arith.constant 0 : index
      %get3A_106 = vector.load %arg2[%get3A_103, %get3A_104, %get3A_105] : memref<40x128x128xf32, #tpu.memory_space<vmem>>, vector<1x128x128xf32>
      %get3A_107 = vector.shape_cast %get3A_106 : vector<1x128x128xf32> to vector<128x128xf32>
      %dot_general3A_108 = arith.constant dense<0.000000e+00> : vector<1x128xf32>
      %dot_general3A_109 = tpu.matmul %get3A_102, %get3A_107, %dot_general3A_108 {dimension_numbers = #tpu.dot_dimension_numbers<[1], [0], [0], [1], [0, 0, 1, 1], [], []>, transpose_lhs_hint = false} : vector<1x128xf32>, vector<128x128xf32>, vector<1x128xf32> -> vector<1x128xf32>
      %add3A_110 = arith.addf %add3A_88, %dot_general3A_109 : vector<1x128xf32>
      %get3A_111 = arith.constant 8 : index
      %get3A_112 = arith.constant 0 : index
      %get3A_113 = vector.load %arg1[%get3A_111, %get3A_112] : memref<40x128xf32, #tpu.memory_space<vmem>>, vector<1x128xf32>
      %get3A_114 = arith.constant 8 : index
      %get3A_115 = arith.constant 0 : index
      %get3A_116 = arith.constant 0 : index
      %get3A_117 = vector.load %arg2[%get3A_114, %get3A_115, %get3A_116] : memref<40x128x128xf32, #tpu.memory_space<vmem>>, vector<1x128x128xf32>
      %get3A_118 = vector.shape_cast %get3A_117 : vector<1x128x128xf32> to vector<128x128xf32>
      %dot_general3A_119 = arith.constant dense<0.000000e+00> : vector<1x128xf32>
      %dot_general3A_120 = tpu.matmul %get3A_113, %get3A_118, %dot_general3A_119 {dimension_numbers = #tpu.dot_dimension_numbers<[1], [0], [0], [1], [0, 0, 1, 1], [], []>, transpose_lhs_hint = false} : vector<1x128xf32>, vector<128x128xf32>, vector<1x128xf32> -> vector<1x128xf32>
      %add3A_121 = arith.addf %add3A_99, %dot_general3A_120 : vector<1x128xf32>
      %get3A_122 = arith.constant 9 : index
      %get3A_123 = arith.constant 0 : index
      %get3A_124 = vector.load %arg1[%get3A_122, %get3A_123] : memref<40x128xf32, #tpu.memory_space<vmem>>, vector<1x128xf32>
      %get3A_125 = arith.constant 9 : index
      %get3A_126 = arith.constant 0 : index
      %get3A_127 = arith.constant 0 : index
      %get3A_128 = vector.load %arg2[%get3A_125, %get3A_126, %get3A_127] : memref<40x128x128xf32, #tpu.memory_space<vmem>>, vector<1x128x128xf32>
      %get3A_129 = vector.shape_cast %get3A_128 : vector<1x128x128xf32> to vector<128x128xf32>
      %dot_general3A_130 = arith.constant dense<0.000000e+00> : vector<1x128xf32>
      %dot_general3A_131 = tpu.matmul %get3A_124, %get3A_129, %dot_general3A_130 {dimension_numbers = #tpu.dot_dimension_numbers<[1], [0], [0], [1], [0, 0, 1, 1], [], []>, transpose_lhs_hint = false} : vector<1x128xf32>, vector<128x128xf32>, vector<1x128xf32> -> vector<1x128xf32>
      %add3A_132 = arith.addf %add3A_110, %dot_general3A_131 : vector<1x128xf32>
      %get3A_133 = arith.constant 10 : index
      %get3A_134 = arith.constant 0 : index
      %get3A_135 = vector.load %arg1[%get3A_133, %get3A_134] : memref<40x128xf32, #tpu.memory_space<vmem>>, vector<1x128xf32>
      %get3A_136 = arith.constant 10 : index
      %get3A_137 = arith.constant 0 : index
      %get3A_138 = arith.constant 0 : index
      %get3A_139 = vector.load %arg2[%get3A_136, %get3A_137, %get3A_138] : memref<40x128x128xf32, #tpu.memory_space<vmem>>, vector<1x128x128xf32>
      %get3A_140 = vector.shape_cast %get3A_139 : vector<1x128x128xf32> to vector<128x128xf32>
      %dot_general3A_141 = arith.constant dense<0.000000e+00> : vector<1x128xf32>
      %dot_general3A_142 = tpu.matmul %get3A_135, %get3A_140, %dot_general3A_141 {dimension_numbers = #tpu.dot_dimension_numbers<[1], [0], [0], [1], [0, 0, 1, 1], [], []>, transpose_lhs_hint = false} : vector<1x128xf32>, vector<128x128xf32>, vector<1x128xf32> -> vector<1x128xf32>
      %add3A_143 = arith.addf %add3A_121, %dot_general3A_142 : vector<1x128xf32>
      %get3A_144 = arith.constant 11 : index
      %get3A_145 = arith.constant 0 : index
      %get3A_146 = vector.load %arg1[%get3A_144, %get3A_145] : memref<40x128xf32, #tpu.memory_space<vmem>>, vector<1x128xf32>
      %get3A_147 = arith.constant 11 : index
      %get3A_148 = arith.constant 0 : index
      %get3A_149 = arith.constant 0 : index
      %get3A_150 = vector.load %arg2[%get3A_147, %get3A_148, %get3A_149] : memref<40x128x128xf32, #tpu.memory_space<vmem>>, vector<1x128x128xf32>
      %get3A_151 = vector.shape_cast %get3A_150 : vector<1x128x128xf32> to vector<128x128xf32>
      %dot_general3A_152 = arith.constant dense<0.000000e+00> : vector<1x128xf32>
      %dot_general3A_153 = tpu.matmul %get3A_146, %get3A_151, %dot_general3A_152 {dimension_numbers = #tpu.dot_dimension_numbers<[1], [0], [0], [1], [0, 0, 1, 1], [], []>, transpose_lhs_hint = false} : vector<1x128xf32>, vector<128x128xf32>, vector<1x128xf32> -> vector<1x128xf32>
      %add3A_154 = arith.addf %add3A_132, %dot_general3A_153 : vector<1x128xf32>
      %get3A_155 = arith.constant 12 : index
      %get3A_156 = arith.constant 0 : index
      %get3A_157 = vector.load %arg1[%get3A_155, %get3A_156] : memref<40x128xf32, #tpu.memory_space<vmem>>, vector<1x128xf32>
      %get3A_158 = arith.constant 12 : index
      %get3A_159 = arith.constant 0 : index
      %get3A_160 = arith.constant 0 : index
      %get3A_161 = vector.load %arg2[%get3A_158, %get3A_159, %get3A_160] : memref<40x128x128xf32, #tpu.memory_space<vmem>>, vector<1x128x128xf32>
      %get3A_162 = vector.shape_cast %get3A_161 : vector<1x128x128xf32> to vector<128x128xf32>
      %dot_general3A_163 = arith.constant dense<0.000000e+00> : vector<1x128xf32>
      %dot_general3A_164 = tpu.matmul %get3A_157, %get3A_162, %dot_general3A_163 {dimension_numbers = #tpu.dot_dimension_numbers<[1], [0], [0], [1], [0, 0, 1, 1], [], []>, transpose_lhs_hint = false} : vector<1x128xf32>, vector<128x128xf32>, vector<1x128xf32> -> vector<1x128xf32>
      %add3A_165 = arith.addf %add3A_143, %dot_general3A_164 : vector<1x128xf32>
      %get3A_166 = arith.constant 13 : index
      %get3A_167 = arith.constant 0 : index
      %get3A_168 = vector.load %arg1[%get3A_166, %get3A_167] : memref<40x128xf32, #tpu.memory_space<vmem>>, vector<1x128xf32>
      %get3A_169 = arith.constant 13 : index
      %get3A_170 = arith.constant 0 : index
      %get3A_171 = arith.constant 0 : index
      %get3A_172 = vector.load %arg2[%get3A_169, %get3A_170, %get3A_171] : memref<40x128x128xf32, #tpu.memory_space<vmem>>, vector<1x128x128xf32>
      %get3A_173 = vector.shape_cast %get3A_172 : vector<1x128x128xf32> to vector<128x128xf32>
      %dot_general3A_174 = arith.constant dense<0.000000e+00> : vector<1x128xf32>
      %dot_general3A_175 = tpu.matmul %get3A_168, %get3A_173, %dot_general3A_174 {dimension_numbers = #tpu.dot_dimension_numbers<[1], [0], [0], [1], [0, 0, 1, 1], [], []>, transpose_lhs_hint = false} : vector<1x128xf32>, vector<128x128xf32>, vector<1x128xf32> -> vector<1x128xf32>
      %add3A_176 = arith.addf %add3A_154, %dot_general3A_175 : vector<1x128xf32>
      %get3A_177 = arith.constant 14 : index
      %get3A_178 = arith.constant 0 : index
      %get3A_179 = vector.load %arg1[%get3A_177, %get3A_178] : memref<40x128xf32, #tpu.memory_space<vmem>>, vector<1x128xf32>
      %get3A_180 = arith.constant 14 : index
      %get3A_181 = arith.constant 0 : index
      %get3A_182 = arith.constant 0 : index
      %get3A_183 = vector.load %arg2[%get3A_180, %get3A_181, %get3A_182] : memref<40x128x128xf32, #tpu.memory_space<vmem>>, vector<1x128x128xf32>
      %get3A_184 = vector.shape_cast %get3A_183 : vector<1x128x128xf32> to vector<128x128xf32>
      %dot_general3A_185 = arith.constant dense<0.000000e+00> : vector<1x128xf32>
      %dot_general3A_186 = tpu.matmul %get3A_179, %get3A_184, %dot_general3A_185 {dimension_numbers = #tpu.dot_dimension_numbers<[1], [0], [0], [1], [0, 0, 1, 1], [], []>, transpose_lhs_hint = false} : vector<1x128xf32>, vector<128x128xf32>, vector<1x128xf32> -> vector<1x128xf32>
      %add3A_187 = arith.addf %add3A_165, %dot_general3A_186 : vector<1x128xf32>
      %get3A_188 = arith.constant 15 : index
      %get3A_189 = arith.constant 0 : index
      %get3A_190 = vector.load %arg1[%get3A_188, %get3A_189] : memref<40x128xf32, #tpu.memory_space<vmem>>, vector<1x128xf32>
      %get3A_191 = arith.constant 15 : index
      %get3A_192 = arith.constant 0 : index
      %get3A_193 = arith.constant 0 : index
      %get3A_194 = vector.load %arg2[%get3A_191, %get3A_192, %get3A_193] : memref<40x128x128xf32, #tpu.memory_space<vmem>>, vector<1x128x128xf32>
      %get3A_195 = vector.shape_cast %get3A_194 : vector<1x128x128xf32> to vector<128x128xf32>
      %dot_general3A_196 = arith.constant dense<0.000000e+00> : vector<1x128xf32>
      %dot_general3A_197 = tpu.matmul %get3A_190, %get3A_195, %dot_general3A_196 {dimension_numbers = #tpu.dot_dimension_numbers<[1], [0], [0], [1], [0, 0, 1, 1], [], []>, transpose_lhs_hint = false} : vector<1x128xf32>, vector<128x128xf32>, vector<1x128xf32> -> vector<1x128xf32>
      %add3A_198 = arith.addf %add3A_176, %dot_general3A_197 : vector<1x128xf32>
      %get3A_199 = arith.constant 16 : index
      %get3A_200 = arith.constant 0 : index
      %get3A_201 = vector.load %arg1[%get3A_199, %get3A_200] : memref<40x128xf32, #tpu.memory_space<vmem>>, vector<1x128xf32>
      %get3A_202 = arith.constant 16 : index
      %get3A_203 = arith.constant 0 : index
      %get3A_204 = arith.constant 0 : index
      %get3A_205 = vector.load %arg2[%get3A_202, %get3A_203, %get3A_204] : memref<40x128x128xf32, #tpu.memory_space<vmem>>, vector<1x128x128xf32>
      %get3A_206 = vector.shape_cast %get3A_205 : vector<1x128x128xf32> to vector<128x128xf32>
      %dot_general3A_207 = arith.constant dense<0.000000e+00> : vector<1x128xf32>
      %dot_general3A_208 = tpu.matmul %get3A_201, %get3A_206, %dot_general3A_207 {dimension_numbers = #tpu.dot_dimension_numbers<[1], [0], [0], [1], [0, 0, 1, 1], [], []>, transpose_lhs_hint = false} : vector<1x128xf32>, vector<128x128xf32>, vector<1x128xf32> -> vector<1x128xf32>
      %add3A_209 = arith.addf %add3A_187, %dot_general3A_208 : vector<1x128xf32>
      %get3A_210 = arith.constant 17 : index
      %get3A_211 = arith.constant 0 : index
      %get3A_212 = vector.load %arg1[%get3A_210, %get3A_211] : memref<40x128xf32, #tpu.memory_space<vmem>>, vector<1x128xf32>
      %get3A_213 = arith.constant 17 : index
      %get3A_214 = arith.constant 0 : index
      %get3A_215 = arith.constant 0 : index
      %get3A_216 = vector.load %arg2[%get3A_213, %get3A_214, %get3A_215] : memref<40x128x128xf32, #tpu.memory_space<vmem>>, vector<1x128x128xf32>
      %get3A_217 = vector.shape_cast %get3A_216 : vector<1x128x128xf32> to vector<128x128xf32>
      %dot_general3A_218 = arith.constant dense<0.000000e+00> : vector<1x128xf32>
      %dot_general3A_219 = tpu.matmul %get3A_212, %get3A_217, %dot_general3A_218 {dimension_numbers = #tpu.dot_dimension_numbers<[1], [0], [0], [1], [0, 0, 1, 1], [], []>, transpose_lhs_hint = false} : vector<1x128xf32>, vector<128x128xf32>, vector<1x128xf32> -> vector<1x128xf32>
      %add3A_220 = arith.addf %add3A_198, %dot_general3A_219 : vector<1x128xf32>
      %get3A_221 = arith.constant 18 : index
      %get3A_222 = arith.constant 0 : index
      %get3A_223 = vector.load %arg1[%get3A_221, %get3A_222] : memref<40x128xf32, #tpu.memory_space<vmem>>, vector<1x128xf32>
      %get3A_224 = arith.constant 18 : index
      %get3A_225 = arith.constant 0 : index
      %get3A_226 = arith.constant 0 : index
      %get3A_227 = vector.load %arg2[%get3A_224, %get3A_225, %get3A_226] : memref<40x128x128xf32, #tpu.memory_space<vmem>>, vector<1x128x128xf32>
      %get3A_228 = vector.shape_cast %get3A_227 : vector<1x128x128xf32> to vector<128x128xf32>
      %dot_general3A_229 = arith.constant dense<0.000000e+00> : vector<1x128xf32>
      %dot_general3A_230 = tpu.matmul %get3A_223, %get3A_228, %dot_general3A_229 {dimension_numbers = #tpu.dot_dimension_numbers<[1], [0], [0], [1], [0, 0, 1, 1], [], []>, transpose_lhs_hint = false} : vector<1x128xf32>, vector<128x128xf32>, vector<1x128xf32> -> vector<1x128xf32>
      %add3A_231 = arith.addf %add3A_209, %dot_general3A_230 : vector<1x128xf32>
      %get3A_232 = arith.constant 19 : index
      %get3A_233 = arith.constant 0 : index
      %get3A_234 = vector.load %arg1[%get3A_232, %get3A_233] : memref<40x128xf32, #tpu.memory_space<vmem>>, vector<1x128xf32>
      %get3A_235 = arith.constant 19 : index
      %get3A_236 = arith.constant 0 : index
      %get3A_237 = arith.constant 0 : index
      %get3A_238 = vector.load %arg2[%get3A_235, %get3A_236, %get3A_237] : memref<40x128x128xf32, #tpu.memory_space<vmem>>, vector<1x128x128xf32>
      %get3A_239 = vector.shape_cast %get3A_238 : vector<1x128x128xf32> to vector<128x128xf32>
      %dot_general3A_240 = arith.constant dense<0.000000e+00> : vector<1x128xf32>
      %dot_general3A_241 = tpu.matmul %get3A_234, %get3A_239, %dot_general3A_240 {dimension_numbers = #tpu.dot_dimension_numbers<[1], [0], [0], [1], [0, 0, 1, 1], [], []>, transpose_lhs_hint = false} : vector<1x128xf32>, vector<128x128xf32>, vector<1x128xf32> -> vector<1x128xf32>
      %add3A_242 = arith.addf %add3A_220, %dot_general3A_241 : vector<1x128xf32>
      %get3A_243 = arith.constant 20 : index
      %get3A_244 = arith.constant 0 : index
      %get3A_245 = vector.load %arg1[%get3A_243, %get3A_244] : memref<40x128xf32, #tpu.memory_space<vmem>>, vector<1x128xf32>
      %get3A_246 = arith.constant 20 : index
      %get3A_247 = arith.constant 0 : index
      %get3A_248 = arith.constant 0 : index
      %get3A_249 = vector.load %arg2[%get3A_246, %get3A_247, %get3A_248] : memref<40x128x128xf32, #tpu.memory_space<vmem>>, vector<1x128x128xf32>
      %get3A_250 = vector.shape_cast %get3A_249 : vector<1x128x128xf32> to vector<128x128xf32>
      %dot_general3A_251 = arith.constant dense<0.000000e+00> : vector<1x128xf32>
      %dot_general3A_252 = tpu.matmul %get3A_245, %get3A_250, %dot_general3A_251 {dimension_numbers = #tpu.dot_dimension_numbers<[1], [0], [0], [1], [0, 0, 1, 1], [], []>, transpose_lhs_hint = false} : vector<1x128xf32>, vector<128x128xf32>, vector<1x128xf32> -> vector<1x128xf32>
      %add3A_253 = arith.addf %add3A_231, %dot_general3A_252 : vector<1x128xf32>
      %get3A_254 = arith.constant 21 : index
      %get3A_255 = arith.constant 0 : index
      %get3A_256 = vector.load %arg1[%get3A_254, %get3A_255] : memref<40x128xf32, #tpu.memory_space<vmem>>, vector<1x128xf32>
      %get3A_257 = arith.constant 21 : index
      %get3A_258 = arith.constant 0 : index
      %get3A_259 = arith.constant 0 : index
      %get3A_260 = vector.load %arg2[%get3A_257, %get3A_258, %get3A_259] : memref<40x128x128xf32, #tpu.memory_space<vmem>>, vector<1x128x128xf32>
      %get3A_261 = vector.shape_cast %get3A_260 : vector<1x128x128xf32> to vector<128x128xf32>
      %dot_general3A_262 = arith.constant dense<0.000000e+00> : vector<1x128xf32>
      %dot_general3A_263 = tpu.matmul %get3A_256, %get3A_261, %dot_general3A_262 {dimension_numbers = #tpu.dot_dimension_numbers<[1], [0], [0], [1], [0, 0, 1, 1], [], []>, transpose_lhs_hint = false} : vector<1x128xf32>, vector<128x128xf32>, vector<1x128xf32> -> vector<1x128xf32>
      %add3A_264 = arith.addf %add3A_242, %dot_general3A_263 : vector<1x128xf32>
      %get3A_265 = arith.constant 22 : index
      %get3A_266 = arith.constant 0 : index
      %get3A_267 = vector.load %arg1[%get3A_265, %get3A_266] : memref<40x128xf32, #tpu.memory_space<vmem>>, vector<1x128xf32>
      %get3A_268 = arith.constant 22 : index
      %get3A_269 = arith.constant 0 : index
      %get3A_270 = arith.constant 0 : index
      %get3A_271 = vector.load %arg2[%get3A_268, %get3A_269, %get3A_270] : memref<40x128x128xf32, #tpu.memory_space<vmem>>, vector<1x128x128xf32>
      %get3A_272 = vector.shape_cast %get3A_271 : vector<1x128x128xf32> to vector<128x128xf32>
      %dot_general3A_273 = arith.constant dense<0.000000e+00> : vector<1x128xf32>
      %dot_general3A_274 = tpu.matmul %get3A_267, %get3A_272, %dot_general3A_273 {dimension_numbers = #tpu.dot_dimension_numbers<[1], [0], [0], [1], [0, 0, 1, 1], [], []>, transpose_lhs_hint = false} : vector<1x128xf32>, vector<128x128xf32>, vector<1x128xf32> -> vector<1x128xf32>
      %add3A_275 = arith.addf %add3A_253, %dot_general3A_274 : vector<1x128xf32>
      %get3A_276 = arith.constant 23 : index
      %get3A_277 = arith.constant 0 : index
      %get3A_278 = vector.load %arg1[%get3A_276, %get3A_277] : memref<40x128xf32, #tpu.memory_space<vmem>>, vector<1x128xf32>
      %get3A_279 = arith.constant 23 : index
      %get3A_280 = arith.constant 0 : index
      %get3A_281 = arith.constant 0 : index
      %get3A_282 = vector.load %arg2[%get3A_279, %get3A_280, %get3A_281] : memref<40x128x128xf32, #tpu.memory_space<vmem>>, vector<1x128x128xf32>
      %get3A_283 = vector.shape_cast %get3A_282 : vector<1x128x128xf32> to vector<128x128xf32>
      %dot_general3A_284 = arith.constant dense<0.000000e+00> : vector<1x128xf32>
      %dot_general3A_285 = tpu.matmul %get3A_278, %get3A_283, %dot_general3A_284 {dimension_numbers = #tpu.dot_dimension_numbers<[1], [0], [0], [1], [0, 0, 1, 1], [], []>, transpose_lhs_hint = false} : vector<1x128xf32>, vector<128x128xf32>, vector<1x128xf32> -> vector<1x128xf32>
      %add3A_286 = arith.addf %add3A_264, %dot_general3A_285 : vector<1x128xf32>
      %get3A_287 = arith.constant 24 : index
      %get3A_288 = arith.constant 0 : index
      %get3A_289 = vector.load %arg1[%get3A_287, %get3A_288] : memref<40x128xf32, #tpu.memory_space<vmem>>, vector<1x128xf32>
      %get3A_290 = arith.constant 24 : index
      %get3A_291 = arith.constant 0 : index
      %get3A_292 = arith.constant 0 : index
      %get3A_293 = vector.load %arg2[%get3A_290, %get3A_291, %get3A_292] : memref<40x128x128xf32, #tpu.memory_space<vmem>>, vector<1x128x128xf32>
      %get3A_294 = vector.shape_cast %get3A_293 : vector<1x128x128xf32> to vector<128x128xf32>
      %dot_general3A_295 = arith.constant dense<0.000000e+00> : vector<1x128xf32>
      %dot_general3A_296 = tpu.matmul %get3A_289, %get3A_294, %dot_general3A_295 {dimension_numbers = #tpu.dot_dimension_numbers<[1], [0], [0], [1], [0, 0, 1, 1], [], []>, transpose_lhs_hint = false} : vector<1x128xf32>, vector<128x128xf32>, vector<1x128xf32> -> vector<1x128xf32>
      %add3A_297 = arith.addf %add3A_275, %dot_general3A_296 : vector<1x128xf32>
      %get3A_298 = arith.constant 25 : index
      %get3A_299 = arith.constant 0 : index
      %get3A_300 = vector.load %arg1[%get3A_298, %get3A_299] : memref<40x128xf32, #tpu.memory_space<vmem>>, vector<1x128xf32>
      %get3A_301 = arith.constant 25 : index
      %get3A_302 = arith.constant 0 : index
      %get3A_303 = arith.constant 0 : index
      %get3A_304 = vector.load %arg2[%get3A_301, %get3A_302, %get3A_303] : memref<40x128x128xf32, #tpu.memory_space<vmem>>, vector<1x128x128xf32>
      %get3A_305 = vector.shape_cast %get3A_304 : vector<1x128x128xf32> to vector<128x128xf32>
      %dot_general3A_306 = arith.constant dense<0.000000e+00> : vector<1x128xf32>
      %dot_general3A_307 = tpu.matmul %get3A_300, %get3A_305, %dot_general3A_306 {dimension_numbers = #tpu.dot_dimension_numbers<[1], [0], [0], [1], [0, 0, 1, 1], [], []>, transpose_lhs_hint = false} : vector<1x128xf32>, vector<128x128xf32>, vector<1x128xf32> -> vector<1x128xf32>
      %add3A_308 = arith.addf %add3A_286, %dot_general3A_307 : vector<1x128xf32>
      %get3A_309 = arith.constant 26 : index
      %get3A_310 = arith.constant 0 : index
      %get3A_311 = vector.load %arg1[%get3A_309, %get3A_310] : memref<40x128xf32, #tpu.memory_space<vmem>>, vector<1x128xf32>
      %get3A_312 = arith.constant 26 : index
      %get3A_313 = arith.constant 0 : index
      %get3A_314 = arith.constant 0 : index
      %get3A_315 = vector.load %arg2[%get3A_312, %get3A_313, %get3A_314] : memref<40x128x128xf32, #tpu.memory_space<vmem>>, vector<1x128x128xf32>
      %get3A_316 = vector.shape_cast %get3A_315 : vector<1x128x128xf32> to vector<128x128xf32>
      %dot_general3A_317 = arith.constant dense<0.000000e+00> : vector<1x128xf32>
      %dot_general3A_318 = tpu.matmul %get3A_311, %get3A_316, %dot_general3A_317 {dimension_numbers = #tpu.dot_dimension_numbers<[1], [0], [0], [1], [0, 0, 1, 1], [], []>, transpose_lhs_hint = false} : vector<1x128xf32>, vector<128x128xf32>, vector<1x128xf32> -> vector<1x128xf32>
      %add3A_319 = arith.addf %add3A_297, %dot_general3A_318 : vector<1x128xf32>
      %get3A_320 = arith.constant 27 : index
      %get3A_321 = arith.constant 0 : index
      %get3A_322 = vector.load %arg1[%get3A_320, %get3A_321] : memref<40x128xf32, #tpu.memory_space<vmem>>, vector<1x128xf32>
      %get3A_323 = arith.constant 27 : index
      %get3A_324 = arith.constant 0 : index
      %get3A_325 = arith.constant 0 : index
      %get3A_326 = vector.load %arg2[%get3A_323, %get3A_324, %get3A_325] : memref<40x128x128xf32, #tpu.memory_space<vmem>>, vector<1x128x128xf32>
      %get3A_327 = vector.shape_cast %get3A_326 : vector<1x128x128xf32> to vector<128x128xf32>
      %dot_general3A_328 = arith.constant dense<0.000000e+00> : vector<1x128xf32>
      %dot_general3A_329 = tpu.matmul %get3A_322, %get3A_327, %dot_general3A_328 {dimension_numbers = #tpu.dot_dimension_numbers<[1], [0], [0], [1], [0, 0, 1, 1], [], []>, transpose_lhs_hint = false} : vector<1x128xf32>, vector<128x128xf32>, vector<1x128xf32> -> vector<1x128xf32>
      %add3A_330 = arith.addf %add3A_308, %dot_general3A_329 : vector<1x128xf32>
      %get3A_331 = arith.constant 28 : index
      %get3A_332 = arith.constant 0 : index
      %get3A_333 = vector.load %arg1[%get3A_331, %get3A_332] : memref<40x128xf32, #tpu.memory_space<vmem>>, vector<1x128xf32>
      %get3A_334 = arith.constant 28 : index
      %get3A_335 = arith.constant 0 : index
      %get3A_336 = arith.constant 0 : index
      %get3A_337 = vector.load %arg2[%get3A_334, %get3A_335, %get3A_336] : memref<40x128x128xf32, #tpu.memory_space<vmem>>, vector<1x128x128xf32>
      %get3A_338 = vector.shape_cast %get3A_337 : vector<1x128x128xf32> to vector<128x128xf32>
      %dot_general3A_339 = arith.constant dense<0.000000e+00> : vector<1x128xf32>
      %dot_general3A_340 = tpu.matmul %get3A_333, %get3A_338, %dot_general3A_339 {dimension_numbers = #tpu.dot_dimension_numbers<[1], [0], [0], [1], [0, 0, 1, 1], [], []>, transpose_lhs_hint = false} : vector<1x128xf32>, vector<128x128xf32>, vector<1x128xf32> -> vector<1x128xf32>
      %add3A_341 = arith.addf %add3A_319, %dot_general3A_340 : vector<1x128xf32>
      %get3A_342 = arith.constant 29 : index
      %get3A_343 = arith.constant 0 : index
      %get3A_344 = vector.load %arg1[%get3A_342, %get3A_343] : memref<40x128xf32, #tpu.memory_space<vmem>>, vector<1x128xf32>
      %get3A_345 = arith.constant 29 : index
      %get3A_346 = arith.constant 0 : index
      %get3A_347 = arith.constant 0 : index
      %get3A_348 = vector.load %arg2[%get3A_345, %get3A_346, %get3A_347] : memref<40x128x128xf32, #tpu.memory_space<vmem>>, vector<1x128x128xf32>
      %get3A_349 = vector.shape_cast %get3A_348 : vector<1x128x128xf32> to vector<128x128xf32>
      %dot_general3A_350 = arith.constant dense<0.000000e+00> : vector<1x128xf32>
      %dot_general3A_351 = tpu.matmul %get3A_344, %get3A_349, %dot_general3A_350 {dimension_numbers = #tpu.dot_dimension_numbers<[1], [0], [0], [1], [0, 0, 1, 1], [], []>, transpose_lhs_hint = false} : vector<1x128xf32>, vector<128x128xf32>, vector<1x128xf32> -> vector<1x128xf32>
      %add3A_352 = arith.addf %add3A_330, %dot_general3A_351 : vector<1x128xf32>
      %get3A_353 = arith.constant 30 : index
      %get3A_354 = arith.constant 0 : index
      %get3A_355 = vector.load %arg1[%get3A_353, %get3A_354] : memref<40x128xf32, #tpu.memory_space<vmem>>, vector<1x128xf32>
      %get3A_356 = arith.constant 30 : index
      %get3A_357 = arith.constant 0 : index
      %get3A_358 = arith.constant 0 : index
      %get3A_359 = vector.load %arg2[%get3A_356, %get3A_357, %get3A_358] : memref<40x128x128xf32, #tpu.memory_space<vmem>>, vector<1x128x128xf32>
      %get3A_360 = vector.shape_cast %get3A_359 : vector<1x128x128xf32> to vector<128x128xf32>
      %dot_general3A_361 = arith.constant dense<0.000000e+00> : vector<1x128xf32>
      %dot_general3A_362 = tpu.matmul %get3A_355, %get3A_360, %dot_general3A_361 {dimension_numbers = #tpu.dot_dimension_numbers<[1], [0], [0], [1], [0, 0, 1, 1], [], []>, transpose_lhs_hint = false} : vector<1x128xf32>, vector<128x128xf32>, vector<1x128xf32> -> vector<1x128xf32>
      %add3A_363 = arith.addf %add3A_341, %dot_general3A_362 : vector<1x128xf32>
      %get3A_364 = arith.constant 31 : index
      %get3A_365 = arith.constant 0 : index
      %get3A_366 = vector.load %arg1[%get3A_364, %get3A_365] : memref<40x128xf32, #tpu.memory_space<vmem>>, vector<1x128xf32>
      %get3A_367 = arith.constant 31 : index
      %get3A_368 = arith.constant 0 : index
      %get3A_369 = arith.constant 0 : index
      %get3A_370 = vector.load %arg2[%get3A_367, %get3A_368, %get3A_369] : memref<40x128x128xf32, #tpu.memory_space<vmem>>, vector<1x128x128xf32>
      %get3A_371 = vector.shape_cast %get3A_370 : vector<1x128x128xf32> to vector<128x128xf32>
      %dot_general3A_372 = arith.constant dense<0.000000e+00> : vector<1x128xf32>
      %dot_general3A_373 = tpu.matmul %get3A_366, %get3A_371, %dot_general3A_372 {dimension_numbers = #tpu.dot_dimension_numbers<[1], [0], [0], [1], [0, 0, 1, 1], [], []>, transpose_lhs_hint = false} : vector<1x128xf32>, vector<128x128xf32>, vector<1x128xf32> -> vector<1x128xf32>
      %add3A_374 = arith.addf %add3A_352, %dot_general3A_373 : vector<1x128xf32>
      %get3A_375 = arith.constant 32 : index
      %get3A_376 = arith.constant 0 : index
      %get3A_377 = vector.load %arg1[%get3A_375, %get3A_376] : memref<40x128xf32, #tpu.memory_space<vmem>>, vector<1x128xf32>
      %get3A_378 = arith.constant 32 : index
      %get3A_379 = arith.constant 0 : index
      %get3A_380 = arith.constant 0 : index
      %get3A_381 = vector.load %arg2[%get3A_378, %get3A_379, %get3A_380] : memref<40x128x128xf32, #tpu.memory_space<vmem>>, vector<1x128x128xf32>
      %get3A_382 = vector.shape_cast %get3A_381 : vector<1x128x128xf32> to vector<128x128xf32>
      %dot_general3A_383 = arith.constant dense<0.000000e+00> : vector<1x128xf32>
      %dot_general3A_384 = tpu.matmul %get3A_377, %get3A_382, %dot_general3A_383 {dimension_numbers = #tpu.dot_dimension_numbers<[1], [0], [0], [1], [0, 0, 1, 1], [], []>, transpose_lhs_hint = false} : vector<1x128xf32>, vector<128x128xf32>, vector<1x128xf32> -> vector<1x128xf32>
      %add3A_385 = arith.addf %add3A_363, %dot_general3A_384 : vector<1x128xf32>
      %get3A_386 = arith.constant 33 : index
      %get3A_387 = arith.constant 0 : index
      %get3A_388 = vector.load %arg1[%get3A_386, %get3A_387] : memref<40x128xf32, #tpu.memory_space<vmem>>, vector<1x128xf32>
      %get3A_389 = arith.constant 33 : index
      %get3A_390 = arith.constant 0 : index
      %get3A_391 = arith.constant 0 : index
      %get3A_392 = vector.load %arg2[%get3A_389, %get3A_390, %get3A_391] : memref<40x128x128xf32, #tpu.memory_space<vmem>>, vector<1x128x128xf32>
      %get3A_393 = vector.shape_cast %get3A_392 : vector<1x128x128xf32> to vector<128x128xf32>
      %dot_general3A_394 = arith.constant dense<0.000000e+00> : vector<1x128xf32>
      %dot_general3A_395 = tpu.matmul %get3A_388, %get3A_393, %dot_general3A_394 {dimension_numbers = #tpu.dot_dimension_numbers<[1], [0], [0], [1], [0, 0, 1, 1], [], []>, transpose_lhs_hint = false} : vector<1x128xf32>, vector<128x128xf32>, vector<1x128xf32> -> vector<1x128xf32>
      %add3A_396 = arith.addf %add3A_374, %dot_general3A_395 : vector<1x128xf32>
      %get3A_397 = arith.constant 34 : index
      %get3A_398 = arith.constant 0 : index
      %get3A_399 = vector.load %arg1[%get3A_397, %get3A_398] : memref<40x128xf32, #tpu.memory_space<vmem>>, vector<1x128xf32>
      %get3A_400 = arith.constant 34 : index
      %get3A_401 = arith.constant 0 : index
      %get3A_402 = arith.constant 0 : index
      %get3A_403 = vector.load %arg2[%get3A_400, %get3A_401, %get3A_402] : memref<40x128x128xf32, #tpu.memory_space<vmem>>, vector<1x128x128xf32>
      %get3A_404 = vector.shape_cast %get3A_403 : vector<1x128x128xf32> to vector<128x128xf32>
      %dot_general3A_405 = arith.constant dense<0.000000e+00> : vector<1x128xf32>
      %dot_general3A_406 = tpu.matmul %get3A_399, %get3A_404, %dot_general3A_405 {dimension_numbers = #tpu.dot_dimension_numbers<[1], [0], [0], [1], [0, 0, 1, 1], [], []>, transpose_lhs_hint = false} : vector<1x128xf32>, vector<128x128xf32>, vector<1x128xf32> -> vector<1x128xf32>
      %add3A_407 = arith.addf %add3A_385, %dot_general3A_406 : vector<1x128xf32>
      %get3A_408 = arith.constant 35 : index
      %get3A_409 = arith.constant 0 : index
      %get3A_410 = vector.load %arg1[%get3A_408, %get3A_409] : memref<40x128xf32, #tpu.memory_space<vmem>>, vector<1x128xf32>
      %get3A_411 = arith.constant 35 : index
      %get3A_412 = arith.constant 0 : index
      %get3A_413 = arith.constant 0 : index
      %get3A_414 = vector.load %arg2[%get3A_411, %get3A_412, %get3A_413] : memref<40x128x128xf32, #tpu.memory_space<vmem>>, vector<1x128x128xf32>
      %get3A_415 = vector.shape_cast %get3A_414 : vector<1x128x128xf32> to vector<128x128xf32>
      %dot_general3A_416 = arith.constant dense<0.000000e+00> : vector<1x128xf32>
      %dot_general3A_417 = tpu.matmul %get3A_410, %get3A_415, %dot_general3A_416 {dimension_numbers = #tpu.dot_dimension_numbers<[1], [0], [0], [1], [0, 0, 1, 1], [], []>, transpose_lhs_hint = false} : vector<1x128xf32>, vector<128x128xf32>, vector<1x128xf32> -> vector<1x128xf32>
      %add3A_418 = arith.addf %add3A_396, %dot_general3A_417 : vector<1x128xf32>
      %get3A_419 = arith.constant 36 : index
      %get3A_420 = arith.constant 0 : index
      %get3A_421 = vector.load %arg1[%get3A_419, %get3A_420] : memref<40x128xf32, #tpu.memory_space<vmem>>, vector<1x128xf32>
      %get3A_422 = arith.constant 36 : index
      %get3A_423 = arith.constant 0 : index
      %get3A_424 = arith.constant 0 : index
      %get3A_425 = vector.load %arg2[%get3A_422, %get3A_423, %get3A_424] : memref<40x128x128xf32, #tpu.memory_space<vmem>>, vector<1x128x128xf32>
      %get3A_426 = vector.shape_cast %get3A_425 : vector<1x128x128xf32> to vector<128x128xf32>
      %dot_general3A_427 = arith.constant dense<0.000000e+00> : vector<1x128xf32>
      %dot_general3A_428 = tpu.matmul %get3A_421, %get3A_426, %dot_general3A_427 {dimension_numbers = #tpu.dot_dimension_numbers<[1], [0], [0], [1], [0, 0, 1, 1], [], []>, transpose_lhs_hint = false} : vector<1x128xf32>, vector<128x128xf32>, vector<1x128xf32> -> vector<1x128xf32>
      %add3A_429 = arith.addf %add3A_407, %dot_general3A_428 : vector<1x128xf32>
      %get3A_430 = arith.constant 37 : index
      %get3A_431 = arith.constant 0 : index
      %get3A_432 = vector.load %arg1[%get3A_430, %get3A_431] : memref<40x128xf32, #tpu.memory_space<vmem>>, vector<1x128xf32>
      %get3A_433 = arith.constant 37 : index
      %get3A_434 = arith.constant 0 : index
      %get3A_435 = arith.constant 0 : index
      %get3A_436 = vector.load %arg2[%get3A_433, %get3A_434, %get3A_435] : memref<40x128x128xf32, #tpu.memory_space<vmem>>, vector<1x128x128xf32>
      %get3A_437 = vector.shape_cast %get3A_436 : vector<1x128x128xf32> to vector<128x128xf32>
      %dot_general3A_438 = arith.constant dense<0.000000e+00> : vector<1x128xf32>
      %dot_general3A_439 = tpu.matmul %get3A_432, %get3A_437, %dot_general3A_438 {dimension_numbers = #tpu.dot_dimension_numbers<[1], [0], [0], [1], [0, 0, 1, 1], [], []>, transpose_lhs_hint = false} : vector<1x128xf32>, vector<128x128xf32>, vector<1x128xf32> -> vector<1x128xf32>
      %add3A_440 = arith.addf %add3A_418, %dot_general3A_439 : vector<1x128xf32>
      %get3A_441 = arith.constant 38 : index
      %get3A_442 = arith.constant 0 : index
      %get3A_443 = vector.load %arg1[%get3A_441, %get3A_442] : memref<40x128xf32, #tpu.memory_space<vmem>>, vector<1x128xf32>
      %get3A_444 = arith.constant 38 : index
      %get3A_445 = arith.constant 0 : index
      %get3A_446 = arith.constant 0 : index
      %get3A_447 = vector.load %arg2[%get3A_444, %get3A_445, %get3A_446] : memref<40x128x128xf32, #tpu.memory_space<vmem>>, vector<1x128x128xf32>
      %get3A_448 = vector.shape_cast %get3A_447 : vector<1x128x128xf32> to vector<128x128xf32>
      %dot_general3A_449 = arith.constant dense<0.000000e+00> : vector<1x128xf32>
      %dot_general3A_450 = tpu.matmul %get3A_443, %get3A_448, %dot_general3A_449 {dimension_numbers = #tpu.dot_dimension_numbers<[1], [0], [0], [1], [0, 0, 1, 1], [], []>, transpose_lhs_hint = false} : vector<1x128xf32>, vector<128x128xf32>, vector<1x128xf32> -> vector<1x128xf32>
      %add3A_451 = arith.addf %add3A_429, %dot_general3A_450 : vector<1x128xf32>
      %get3A_452 = arith.constant 39 : index
      %get3A_453 = arith.constant 0 : index
      %get3A_454 = vector.load %arg1[%get3A_452, %get3A_453] : memref<40x128xf32, #tpu.memory_space<vmem>>, vector<1x128xf32>
      %get3A_455 = arith.constant 39 : index
      %get3A_456 = arith.constant 0 : index
      %get3A_457 = arith.constant 0 : index
      %get3A_458 = vector.load %arg2[%get3A_455, %get3A_456, %get3A_457] : memref<40x128x128xf32, #tpu.memory_space<vmem>>, vector<1x128x128xf32>
      %get3A_459 = vector.shape_cast %get3A_458 : vector<1x128x128xf32> to vector<128x128xf32>
      %dot_general3A_460 = arith.constant dense<0.000000e+00> : vector<1x128xf32>
      %dot_general3A_461 = tpu.matmul %get3A_454, %get3A_459, %dot_general3A_460 {dimension_numbers = #tpu.dot_dimension_numbers<[1], [0], [0], [1], [0, 0, 1, 1], [], []>, transpose_lhs_hint = false} : vector<1x128xf32>, vector<128x128xf32>, vector<1x128xf32> -> vector<1x128xf32>
      %add3A_462 = arith.addf %add3A_440, %dot_general3A_461 : vector<1x128xf32>
      %add3A_463 = arith.addf %add3A_451, %add3A_462 : vector<1x128xf32>
      %swap3A = arith.constant 0 : index
      %swap3A_464 = arith.constant 0 : index
      %swap3A_465 = vector.load %arg7[%swap3A, %swap3A_464] : memref<1x128xf32, #tpu.memory_space<vmem>>, vector<1x128xf32>
      tpu.vector_store %arg7[%swap3A, %swap3A_464], %add3A_463 {strides = array<i32>} : memref<1x128xf32, #tpu.memory_space<vmem>>, vector<1x128xf32>,
    } else {
    }
    %eq3A_6 = arith.constant 4 : i32
    %eq3A_7 = arith.cmpi eq, %arg0, %eq3A_6 : i32
    %convert_element_type3A_8 = arith.extui %eq3A_7 : i1 to i32
    %cond3A_9 = arith.constant 0 : i32
    %cond3A_10 = arith.cmpi ne, %convert_element_type3A_8, %cond3A_9 : i32
    scf.if %cond3A_10 {
      %get3A = arith.constant 0 : index
      %get3A_22 = arith.constant 0 : index
      %get3A_23 = vector.load %arg7[%get3A, %get3A_22] : memref<1x128xf32, #tpu.memory_space<vmem>>, vector<1x128xf32>
      %get3A_24 = arith.constant 0 : index
      %get3A_25 = vector.load %arg3[%get3A_24] : memref<128xf32, #tpu.memory_space<vmem>>, vector<128xf32>
      %reshape3A = vector.shape_cast %get3A_25 : vector<128xf32> to vector<1x128xf32>
      %add3A = arith.addf %get3A_23, %reshape3A : vector<1x128xf32>
      %max3A = arith.constant 0.000000e+00 : f32
      %max3A_26 = vector.broadcast %max3A : f32 to vector<1x128xf32>
      %max3A_27 = arith.maximumf %add3A, %max3A_26 : vector<1x128xf32>
      %swap3A = arith.constant 0 : index
      %swap3A_28 = arith.constant 0 : index
      %swap3A_29 = vector.load %arg7[%swap3A, %swap3A_28] : memref<1x128xf32, #tpu.memory_space<vmem>>, vector<1x128xf32>
      tpu.vector_store %arg7[%swap3A, %swap3A_28], %max3A_27 {strides = array<i32>} : memref<1x128xf32, #tpu.memory_space<vmem>>, vector<1x128xf32>,
    } else {
    }
    %ge3A = arith.constant 5 : i32
    %ge3A_11 = arith.cmpi sge, %arg0, %ge3A : i32
    %lt3A_12 = arith.constant 9 : i32
    %lt3A_13 = arith.cmpi slt, %arg0, %lt3A_12 : i32
    %and3A = arith.andi %ge3A_11, %lt3A_13 : i1
    %convert_element_type3A_14 = arith.extui %and3A : i1 to i32
    %cond3A_15 = arith.constant 0 : i32
    %cond3A_16 = arith.cmpi ne, %convert_element_type3A_14, %cond3A_15 : i32
    scf.if %cond3A_16 {
      %sub3A = arith.constant 5 : i32
      %sub3A_22 = arith.subi %arg0, %sub3A : i32
      %get3A = arith.constant 0 : index
      %get3A_23 = arith.constant 0 : index
      %get3A_24 = vector.load %arg7[%get3A, %get3A_23] : memref<1x128xf32, #tpu.memory_space<vmem>>, vector<1x128xf32>
      %get3A_25 = arith.constant 0 : index
      %get3A_26 = arith.constant 0 : index
      %get3A_27 = vector.load %arg4[%get3A_25, %get3A_26] : memref<25600x128xf32, #tpu.memory_space<vmem>>, vector<25600x128xf32>
      %dot_general3A = arith.constant dense<0.000000e+00> : vector<1x25600xf32>
      %dot_general3A_28 = tpu.matmul %get3A_24, %get3A_27, %dot_general3A {dimension_numbers = #tpu.dot_dimension_numbers<[1], [1], [0], [0], [0, 0, 1, 0], [], []>, transpose_lhs_hint = false} : vector<1x128xf32>, vector<25600x128xf32>, vector<1x25600xf32> -> vector<1x25600xf32>
      %get3A_29 = arith.constant 0 : index
      %get3A_30 = vector.load %arg5[%get3A_29] : memref<25600xf32, #tpu.memory_space<vmem>>, vector<25600xf32>
      %reshape3A = vector.shape_cast %get3A_30 : vector<25600xf32> to vector<1x25600xf32>
      %add3A = arith.addf %dot_general3A_28, %reshape3A : vector<1x25600xf32>
      %lt3A_31 = arith.constant 3 : i32
      %lt3A_32 = arith.cmpi slt, %sub3A_22, %lt3A_31 : i32
      %iota3A = tpu.iota {dimensions = array<i32: 1>} : vector<1x25600xi32>
      %lt3A_33 = arith.constant 23200 : i32
      %lt3A_34 = vector.broadcast %lt3A_33 : i32 to vector<1x25600xi32>
      %lt3A_35 = arith.cmpi slt, %iota3A, %lt3A_34 : vector<1x25600xi32>
      %or3A = vector.broadcast %lt3A_32 : i1 to vector<1x25600xi1>
      %or3A_36 = arith.ori %or3A, %lt3A_35 : vector<1x25600xi1>
      %jit3A = arith.constant 0xFF800000 : f32
      %broadcast_in_dim3A = vector.broadcast %jit3A : f32 to vector<1x25600xf32>
      %select_n3A = arith.select %or3A_36, %add3A, %broadcast_in_dim3A : vector<1x25600xi1>, vector<1x25600xf32>
      %swap3A = arith.index_cast %sub3A_22 : i32 to index
      %swap3A_37 = arith.constant 0 : index
      %swap3A_38 = vector.load %arg10[%swap3A, %swap3A_37] : memref<8x25600xf32, #tpu.memory_space<vmem>>, vector<1x25600xf32>
      tpu.vector_store %arg10[%swap3A, %swap3A_37], %select_n3A {strides = array<i32>} : memref<8x25600xf32, #tpu.memory_space<vmem>>, vector<1x25600xf32>,
      %reduce_max3A = vector.shape_cast %select_n3A : vector<1x25600xf32> to vector<1x1x25600xf32>
      %reduce_max3A_39 = arith.constant dense<0xFF800000> : vector<1xf32>
      %reduce_max3A_40 = vector.multi_reduction <maximumf>, %reduce_max3A, %reduce_max3A_39 [1, 2] : vector<1x1x25600xf32> to vector<1xf32>
      %reduce_max3A_41 = vector.shape_cast %reduce_max3A_40 : vector<1xf32> to vector<1x1x1xf32>
      %reduce_max3A_42 = vector.extract %reduce_max3A_41[0, 0, 0] : f32 from vector<1x1x1xf32>
      %sub3A_43 = vector.broadcast %reduce_max3A_42 : f32 to vector<1x25600xf32>
      %sub3A_44 = arith.subf %select_n3A, %sub3A_43 : vector<1x25600xf32>
      %exp3A = math.exp %sub3A_44 : vector<1x25600xf32>
      %reduce_sum3A = vector.shape_cast %exp3A : vector<1x25600xf32> to vector<1x1x25600xf32>
      %reduce_sum3A_45 = arith.constant dense<0.000000e+00> : vector<1xf32>
      %reduce_sum3A_46 = vector.multi_reduction <add>, %reduce_sum3A, %reduce_sum3A_45 [1, 2] : vector<1x1x25600xf32> to vector<1xf32>
      %reduce_sum3A_47 = vector.shape_cast %reduce_sum3A_46 : vector<1xf32> to vector<1x1x1xf32>
      %reduce_sum3A_48 = vector.extract %reduce_sum3A_47[0, 0, 0] : f32 from vector<1x1x1xf32>
      %broadcast_in_dim3A_49 = vector.broadcast %reduce_max3A_42 : f32 to vector<1x128xf32>
      %broadcast_in_dim3A_50 = vector.broadcast %reduce_sum3A_48 : f32 to vector<1x128xf32>
      %eq3A_51 = arith.constant 0 : i32
      %eq3A_52 = arith.cmpi eq, %sub3A_22, %eq3A_51 : i32
      %convert_element_type3A_53 = arith.extui %eq3A_52 : i1 to i32
      %cond3A_54 = arith.constant 0 : i32
      %cond3A_55 = arith.cmpi ne, %convert_element_type3A_53, %cond3A_54 : i32
      scf.if %cond3A_55 {
        %swap3A_65 = arith.constant 0 : index
        %swap3A_66 = arith.constant 0 : index
        %swap3A_67 = vector.load %arg8[%swap3A_65, %swap3A_66] : memref<1x128xf32, #tpu.memory_space<vmem>>, vector<1x128xf32>
        tpu.vector_store %arg8[%swap3A_65, %swap3A_66], %broadcast_in_dim3A_49 {strides = array<i32>} : memref<1x128xf32, #tpu.memory_space<vmem>>, vector<1x128xf32>,
        %swap3A_68 = arith.constant 0 : index
        %swap3A_69 = arith.constant 0 : index
        %swap3A_70 = vector.load %arg9[%swap3A_68, %swap3A_69] : memref<1x128xf32, #tpu.memory_space<vmem>>, vector<1x128xf32>
        tpu.vector_store %arg9[%swap3A_68, %swap3A_69], %broadcast_in_dim3A_50 {strides = array<i32>} : memref<1x128xf32, #tpu.memory_space<vmem>>, vector<1x128xf32>,
      } else {
      }
      %gt3A = arith.constant 0 : i32
      %gt3A_56 = arith.cmpi sgt, %sub3A_22, %gt3A : i32
      %convert_element_type3A_57 = arith.extui %gt3A_56 : i1 to i32
      %cond3A_58 = arith.constant 0 : i32
      %cond3A_59 = arith.cmpi ne, %convert_element_type3A_57, %cond3A_58 : i32
      scf.if %cond3A_59 {
        %get3A_65 = arith.constant 0 : index
        %get3A_66 = arith.constant 0 : index
        %get3A_67 = vector.load %arg8[%get3A_65, %get3A_66] : memref<1x128xf32, #tpu.memory_space<vmem>>, vector<1x128xf32>
        %max3A = arith.maximumf %get3A_67, %broadcast_in_dim3A_49 : vector<1x128xf32>
        %get3A_68 = arith.constant 0 : index
        %get3A_69 = arith.constant 0 : index
        %get3A_70 = vector.load %arg9[%get3A_68, %get3A_69] : memref<1x128xf32, #tpu.memory_space<vmem>>, vector<1x128xf32>
        %sub3A_71 = arith.subf %get3A_67, %max3A : vector<1x128xf32>
        %exp3A_72 = math.exp %sub3A_71 : vector<1x128xf32>
        %mul3A = arith.mulf %get3A_70, %exp3A_72 : vector<1x128xf32>
        %sub3A_73 = arith.subf %broadcast_in_dim3A_49, %max3A : vector<1x128xf32>
        %exp3A_74 = math.exp %sub3A_73 : vector<1x128xf32>
        %mul3A_75 = arith.mulf %broadcast_in_dim3A_50, %exp3A_74 : vector<1x128xf32>
        %add3A_76 = arith.addf %mul3A, %mul3A_75 : vector<1x128xf32>
        %swap3A_77 = arith.constant 0 : index
        %swap3A_78 = arith.constant 0 : index
        %swap3A_79 = vector.load %arg9[%swap3A_77, %swap3A_78] : memref<1x128xf32, #tpu.memory_space<vmem>>, vector<1x128xf32>
        tpu.vector_store %arg9[%swap3A_77, %swap3A_78], %add3A_76 {strides = array<i32>} : memref<1x128xf32, #tpu.memory_space<vmem>>, vector<1x128xf32>,
        %swap3A_80 = arith.constant 0 : index
        %swap3A_81 = arith.constant 0 : index
        %swap3A_82 = vector.load %arg8[%swap3A_80, %swap3A_81] : memref<1x128xf32, #tpu.memory_space<vmem>>, vector<1x128xf32>
        tpu.vector_store %arg8[%swap3A_80, %swap3A_81], %max3A {strides = array<i32>} : memref<1x128xf32, #tpu.memory_space<vmem>>, vector<1x128xf32>,
      } else {
      }
      %eq3A_60 = arith.constant 8 : i32
      %eq3A_61 = arith.cmpi eq, %arg0, %eq3A_60 : i32
      %convert_element_type3A_62 = arith.extui %eq3A_61 : i1 to i32
      %cond3A_63 = arith.constant 0 : i32
      %cond3A_64 = arith.cmpi ne, %convert_element_type3A_62, %cond3A_63 : i32
      scf.if %cond3A_64 {
        %get3A_65 = arith.constant 0 : index
        %get3A_66 = arith.constant 0 : index
        %get3A_67 = vector.load %arg8[%get3A_65, %get3A_66] : memref<1x128xf32, #tpu.memory_space<vmem>>, vector<1x128xf32>
        %get3A_68 = arith.constant 0 : index
        %get3A_69 = arith.constant 0 : index
        %get3A_70 = vector.load %arg9[%get3A_68, %get3A_69] : memref<1x128xf32, #tpu.memory_space<vmem>>, vector<1x128xf32>
        %log3A = math.log %get3A_70 : vector<1x128xf32>
        %add3A_71 = arith.addf %get3A_67, %log3A : vector<1x128xf32>
        %swap3A_72 = arith.constant 0 : index
        %swap3A_73 = arith.constant 0 : index
        %swap3A_74 = vector.load %arg8[%swap3A_72, %swap3A_73] : memref<1x128xf32, #tpu.memory_space<vmem>>, vector<1x128xf32>
        tpu.vector_store %arg8[%swap3A_72, %swap3A_73], %add3A_71 {strides = array<i32>} : memref<1x128xf32, #tpu.memory_space<vmem>>, vector<1x128xf32>,
      } else {
      }
    } else {
    }
    %ge3A_17 = arith.constant 9 : i32
    %ge3A_18 = arith.cmpi sge, %arg0, %ge3A_17 : i32
    %convert_element_type3A_19 = arith.extui %ge3A_18 : i1 to i32
    %cond3A_20 = arith.constant 0 : i32
    %cond3A_21 = arith.cmpi ne, %convert_element_type3A_19, %cond3A_20 : i32
    scf.if %cond3A_21 {
      %sub3A = arith.constant 5 : i32
      %sub3A_22 = arith.subi %arg0, %sub3A : i32
      %sub3A_23 = arith.constant 4 : i32
      %sub3A_24 = arith.subi %sub3A_22, %sub3A_23 : i32
      %get3A = arith.index_cast %sub3A_24 : i32 to index
      %get3A_25 = arith.constant 0 : index
      %get3A_26 = vector.load %arg10[%get3A, %get3A_25] : memref<8x25600xf32, #tpu.memory_space<vmem>>, vector<1x25600xf32>
      %get3A_27 = arith.constant 0 : index
      %get3A_28 = arith.constant 0 : index
      %get3A_29 = vector.load %arg8[%get3A_27, %get3A_28] : memref<1x128xf32, #tpu.memory_space<vmem>>, vector<1x1xf32>
      %get3A_30 = vector.extract %get3A_29[0, 0] : f32 from vector<1x1xf32>
      %sub3A_31 = vector.broadcast %get3A_30 : f32 to vector<1x25600xf32>
      %sub3A_32 = arith.subf %get3A_26, %sub3A_31 : vector<1x25600xf32>
      %swap3A = arith.constant 0 : index
      %swap3A_33 = arith.constant 0 : index
      %swap3A_34 = vector.load %arg6[%swap3A, %swap3A_33] : memref<1x25600xf32, #tpu.memory_space<vmem>>, vector<1x25600xf32>
      tpu.vector_store %arg6[%swap3A, %swap3A_33], %sub3A_32 {strides = array<i32>} : memref<1x25600xf32, #tpu.memory_space<vmem>>, vector<1x25600xf32>,
    } else {
    }
    return
  }
  func.func @transform_0(%arg0: i32) -> (i32, i32) {
    %min3A = arith.constant 4 : i32
    %min3A_0 = arith.minsi %arg0, %min3A : i32
    %c0_i32 = arith.constant 0 : i32
    %c0_i32_1 = arith.constant 0 : i32
    return %min3A_0, %c0_i32 : i32, i32
  }
  func.func @transform_1(%arg0: i32) -> (i32, i32, i32) {
    %min3A = arith.constant 4 : i32
    %min3A_0 = arith.minsi %arg0, %min3A : i32
    %c0_i32 = arith.constant 0 : i32
    %c0_i32_1 = arith.constant 0 : i32
    %c0_i32_2 = arith.constant 0 : i32
    return %min3A_0, %c0_i32, %c0_i32_1 : i32, i32, i32
  }
  func.func @transform_2(%arg0: i32) -> i32 {
    %c0_i32 = arith.constant 0 : i32
    %c0_i32_0 = arith.constant 0 : i32
    return %c0_i32 : i32
  }
  func.func @transform_3(%arg0: i32) -> (i32, i32) {
    %sub3A = arith.constant 5 : i32
    %sub3A_0 = arith.subi %arg0, %sub3A : i32
    %jit3A = arith.constant 0 : i32
    %jit3A_1 = arith.constant 3 : i32
    %max3A = arith.maxsi %jit3A, %sub3A_0 : i32
    %min3A = arith.minsi %jit3A_1, %max3A : i32
    %c0_i32 = arith.constant 0 : i32
    %c0_i32_2 = arith.constant 0 : i32
    return %min3A, %c0_i32 : i32, i32
  }
  func.func @transform_4(%arg0: i32) -> i32 {
    %sub3A = arith.constant 5 : i32
    %sub3A_0 = arith.subi %arg0, %sub3A : i32
    %jit3A = arith.constant 0 : i32
    %jit3A_1 = arith.constant 3 : i32
    %max3A = arith.maxsi %jit3A, %sub3A_0 : i32
    %min3A = arith.minsi %jit3A_1, %max3A : i32
    %c0_i32 = arith.constant 0 : i32
    return %min3A : i32
  }
  func.func @transform_5(%arg0: i32) -> (i32, i32) {
    %sub3A = arith.constant 5 : i32
    %sub3A_0 = arith.subi %arg0, %sub3A : i32
    %sub3A_1 = arith.constant 4 : i32
    %sub3A_2 = arith.subi %sub3A_0, %sub3A_1 : i32
    %max3A = arith.constant 0 : i32
    %max3A_3 = arith.maxsi %sub3A_2, %max3A : i32
    %c0_i32 = arith.constant 0 : i32
    %c0_i32_4 = arith.constant 0 : i32
    return %c0_i32, %max3A_3 : i32, i32
  }
}

</mosaic_0001>

<sc_bundles>
// kernel: kernel.4.cloned.1.call-start
scs
__scs_entry_jumppad:
0x0: {  	(pc) =	sbr.rel $0x88, $3  }
0x1: {  	(tag) =	ssettag $0x0;
	lr =	simm.s32 $0x1  }
0x2: {  	[smem:$0x3F9B] =	sst lr;
	_ =	strace $0xD0000000  }
0x3: {  	_ = 	snop  }
0x4: {  	_ = 	snop  }
0x5: {  	_ = 	snop  }
0x6: {  	_ = 	snop  }
0x7: {  	_ = 	snop  }
__scs_overlays_trampoline_lowered:
0x8: {  	[smem:$0x3FAA] =	sst s0  }
0x9: {  	[smem:$0x3FAB] =	sst s1  }
0xa: {  	[smem:$0x3FAC] =	sst s2  }
0xb: {  	[smem:$0x3FAD] =	sst s3  }
0xc: {  	[smem:$0x3FAE] =	sst s4  }
0xd: {  	[smem:$0x3FAF] =	sst s5  }
0xe: {  	[smem:$0x3FB0] =	sst s6  }
0xf: {  	[smem:$0x3FB1] =	sst s7  }
0x10: {  	[smem:$0x3FB2] =	sst s8  }
0x11: {  	[smem:$0x3FB3] =	sst s9;
	s0 =	simm.s32 @!p0 $0x0  }
0x12: {  	s1 =	sld [smem:$0x3F99];
	s0 =	simm.s32 @p0 $0x1  }
0x13: {  	[smem:$0x3FB4] =	sst s0;
	s0 =	simm.s32 @!p1 $0x0  }
0x14: {  	s2 =	sld [smem:$0x3F98];
	s0 =	simm.s32 @p1 $0x1  }
0x15: {  	[smem:$0x3FB5] =	sst s0;
	s0 =	simm.s32 @!p2 $0x0  }
0x16: {  	s3 =	sld [smem:$0x3FDB];
	s0 =	simm.s32 @p2 $0x1  }
0x17: {  	s4 =	simm.s32 $0x1BF5;
	[smem:$0x3FB7] =	sst s0  }
0x18: {  	s0 =	sld [smem:$0x3F9A];
	_ =	swait.ge [sflag:s4], $0x0  }
0x19: {  	s7 =	sld [smem:$0x3F9B]  }
0x1a: {  	s8 =	sadd.s32 $0xFFFFE003, lr  }
0x1b: {  	s9 =	sadd.s32 $0xFFFFFEF7, lr;
	s5 =	simm.s32 $0xFFFFFFFF;
	p2 =	slt.u32 s8, $0xFFFFF086  }
0x1c: {  	p1 =	slt.u32 s9, $0xF7A;
	s5 =	simm.s32 @!p2 $0x0  }
0x1d: {  	s5 =	simm.s32 @p1 $0x1;
	p0 =	seq.s32 s7, s2  }
0x1e: {  	s7 =	smul.u32 @!p0 $0xF7A, s2;
	p2 =	seq.s32 @!p0 s5, $0x0  }
0x1f: {  	s9 =	smul.u32 $0xF7A, s1;
	s8 =	simm.s32 @!p0 $0x1BF5;
	p2 =	por !p2, p0  }
0x20: {  	[sflag:s8] =	ssyncset.s32 @!p0 $0xFFFFF086;
	s6 =	sadd.s32 @!p0 s3, s7;
	s7 =	simm.s32 @!p0 $0x108  }
0x21: {  	s3 =	sadd.s32 s3, s9;
	s6 =	sadd.s32 @!p0 $0x88, s6;
	s7 =	simm.s32 @p2 $0x1082  }
0x22: {  	[simem:s7], [sflag:s8] =	dma.local @!p0 [hbm:s6], $0xF7A  }
0x23: {  	s9 =	sor.u32 $0xD0000000, s2;
	s6 =	simm.s32 $0x108;
	_ =	swait.ge @!p0 [sflag:s8], $0x0  }
0x24: {  	s3 =	sadd.s32 $0x88, s3;
	s6 =	simm.s32 @!p1 $0x1082;
	[sflag:s4] =	ssyncset.s32 $0xFFFFF086  }
0x25: {  	[simem:s6], [sflag:s4] =	dma.local [hbm:s3], $0xF7A  }
0x26: {  	[smem:$0x3F9B] =	sst s1;
	(tag) =	ssettag s2;
	_ =	strace s9  }
0x27: {  	s1 =	sld [smem:$0x3FAB]  }
0x28: {  	s2 =	sld [smem:$0x3FAC]  }
0x29: {  	s4 =	sld [smem:$0x3FAE]  }
0x2a: {  	p0 =	seq.s32 s5, $0x0;
	s5 =	sld [smem:$0x3FAF]  }
0x2b: {  	s6 =	sld [smem:$0x3FB0]  }
0x2c: {  	s7 =	sld [smem:$0x3FB1]  }
0x2d: {  	s3 =	simm.s32 $0x108;
	s8 =	sld [smem:$0x3FB2]  }
0x2e: {  	s3 =	simm.s32 @!p0 $0x1082;
	s9 =	sld [smem:$0x3FB3]  }
0x2f: {  	lr =	sadd.s32 s0, s3;
	s0 =	sld [smem:$0x3FAA]  }
0x30: {  	s3 =	sld [smem:$0x3FAD]  }
0x31: {  	[smem:$0x3FB6] =	sst s10  }
0x32: {  	s10 =	sld [smem:$0x3FB4];
	_ =	sdelay $0x3  }
0x33: {  	p0 =	seq.s32 s10, $0x1;
	s10 =	sld [smem:$0x3FB6];
	_ =	sdelay $0x3  }
0x34: {  	[smem:$0x3FB6] =	sst s10  }
0x35: {  	s10 =	sld [smem:$0x3FB5];
	_ =	sdelay $0x3  }
0x36: {  	p1 =	seq.s32 s10, $0x1;
	s10 =	sld [smem:$0x3FB6];
	_ =	sdelay $0x3  }
0x37: {  	[smem:$0x3FB6] =	sst s10  }
0x38: {  	s10 =	sld [smem:$0x3FB7]  }
0x39: {  	_ = 	snop;
	(pc) =	sbr.ind lr, $3  }
0x3a: {  	_ = 	snop  }
0x3b: {  	_ = 	snop  }
0x3c: {  	p2 =	seq.s32 s10, $0x1;
	s10 =	sld [smem:$0x3FB6]  }
0x3d: {  	_ =	shalt  }
0x3e: {  	_ =	shalt  }
0x3f: {  	_ =	shalt  }
0x40: {  	_ =	shalt  }
0x41: {  	_ =	shalt  }
0x42: {  	_ =	shalt  }
0x43: {  	_ =	shalt  }
0x44: {  	_ =	shalt  }
0x45: {  	_ =	shalt  }
0x46: {  	_ =	shalt  }
0x47: {  	_ =	shalt  }
0x48: {  	_ =	shalt  }
0x49: {  	_ =	shalt  }
0x4a: {  	_ =	shalt  }
0x4b: {  	_ =	shalt  }
0x4c: {  	_ =	shalt  }
0x4d: {  	_ =	shalt  }
0x4e: {  	_ =	shalt  }
0x4f: {  	_ =	shalt  }
0x50: {  	_ =	shalt  }
0x51: {  	_ =	shalt  }
0x52: {  	_ =	shalt  }
0x53: {  	_ =	shalt  }
0x54: {  	_ =	shalt  }
0x55: {  	_ =	shalt  }
0x56: {  	_ =	shalt  }
0x57: {  	_ =	shalt  }
0x58: {  	_ =	shalt  }
0x59: {  	_ =	shalt  }
0x5a: {  	_ =	shalt  }
0x5b: {  	_ =	shalt  }
0x5c: {  	_ =	shalt  }
0x5d: {  	_ =	shalt  }
0x5e: {  	_ =	shalt  }
0x5f: {  	_ =	shalt  }
0x60: {  	_ =	shalt  }
0x61: {  	_ =	shalt  }
0x62: {  	_ =	shalt  }
0x63: {  	_ =	shalt  }
0x64: {  	_ =	shalt  }
0x65: {  	_ =	shalt  }
0x66: {  	_ =	shalt  }
0x67: {  	_ =	shalt  }
0x68: {  	_ =	shalt  }
0x69: {  	_ =	shalt  }
0x6a: {  	_ =	shalt  }
0x6b: {  	_ =	shalt  }
0x6c: {  	_ =	shalt  }
0x6d: {  	_ =	shalt  }
0x6e: {  	_ =	shalt  }
0x6f: {  	_ =	shalt  }
0x70: {  	_ =	shalt  }
0x71: {  	_ =	shalt  }
0x72: {  	_ =	shalt  }
0x73: {  	_ =	shalt  }
0x74: {  	_ =	shalt  }
0x75: {  	_ =	shalt  }
0x76: {  	_ =	shalt  }
0x77: {  	_ =	shalt  }
0x78: {  	_ =	shalt  }
0x79: {  	_ =	shalt  }
0x7a: {  	_ =	shalt  }
0x7b: {  	_ =	shalt  }
0x7c: {  	_ =	shalt  }
0x7d: {  	_ =	shalt  }
0x7e: {  	_ =	shalt  }
0x7f: {  	_ =	shalt  }
0x80: {  	_ =	shalt  }
0x81: {  	_ =	shalt  }
0x82: {  	_ =	shalt  }
0x83: {  	_ =	shalt  }
0x84: {  	_ =	shalt  }
0x85: {  	_ =	shalt  }
0x86: {  	_ =	shalt  }
0x87: {  	_ =	shalt  }
.Lfunc_end0:
.L_simem_size_0:
called_computation_lowered:
.L_overlay_start_0:
0x88: {  	s0 =	sld [smem:$0x3FD9]  }
0x89: {  	s1 =	sld [smem:$0x3FFE];
	_ =	sdelay $0x3  }
0x8a: {  	s0 =	sadd.s32 s1, s0  }
0x8b: {  	[smem:$0x3FC2] =	sst s0  }
0x8c: {  	_ = 	snop  }
0x8d: {  	s0 =	sld [smem:$0x3FC9]  }
0x8e: {  	s16 =	sld [smem:$0x3FC8];
	(tm) =	ssettm $0x1  }
0x8f: {  	s2 =	sld [smem:$0x3FFB];
	_ =	sdelay $0x3  }
0x90: {  	_ =	strace s2  }
0x91: {  	s2 =	sld [smem:$0x3FFC];
	_ =	sdelay $0x3  }
0x92: {  	_ =	strace s2  }
0x93: {  	s2 =	sld [smem:$0x3FFD];
	_ =	sdelay $0x3  }
0x94: {  	_ =	strace s2  }
0x95: {  	_ =	strace $0x8FFFFFFF  }
0x96: {  	s17 =	sld [smem:$0x3FDB];
	_ =	sdelay $0x1  }
0x97: {  	s3 =	simm.s32 $_scs_section_size  }
0x98: {  	s4 =	simm.s32 $_size__tile_overlayer_lowered;
	s5 =	simm.s32 $_tile_overlayer_lowered  }
0x99: {  	s20 =	simm.s32 $0x1BFF;
	s19 =	sshll.u32 s5, $0x1;
	s2 =	sadd.s32 s3, s17  }
0x9a: {  	s6 =	simm.s32 $0x0;
	s18 =	sshll.u32 s4, $0x1;
	s4 =	sadd.s32 s19, s2  }
0x9b: {  	[timem:s6], [sflag:s20] =	dma.local [hbm:s4], s18  }
0x9c: {  	_ =	swait.ge [sflag:s20], s18  }
0x9d: {  	s3 =	ssub.s32 $0x0, s18;
	[sflag:s20] =	ssyncset.done $0x0  }
0x9e: {  	[sflag:s20] =	ssyncadd.s32 s3;
	_ =	sdelay $0x1  }
0x9f: {  	s21 =	simm.s32 $0x1B8B  }
0xa0: {  	_ =	swait.ge [sflag:s21], $0x1  }
0xa1: {  	[sflag:s21] =	ssyncset.done $0x0  }
0xa2: {  	s23 =	simm.s32 $0x1B8E;
	s22 =	sld [smem:$0x3FFE];
	[sflag:s21] =	ssyncadd.s32 $0xFFFFFFFF  }
0xa3: {  	s24 =	simm.s32 $execute0_lowered;
	[smem:$0x3FD2] =	sst s23  }
0xa4: {  	s4 =	sshll.u32 s24, $0x1;
	_ =	strace $0x80000046;
	[dreg:$0x1] =	wrdreg $0xFFFFFFFF  }
0xa5: {  	s25 =	simm.s32 $_size_execute0_lowered;
	s2 =	sadd.s32 s2, s4;
	[dreg:$0x0] =	wrdreg $0x0  }
0xa6: {  	s4 =	sshll.u32 s25, $0x1;
	[dreg:$0x2] =	wrdreg s2  }
0xa7: {  	[dreg:$0x3] =	wrdreg s4  }
0xa8: {  	[dreg:$0x4] =	wrdreg $0xC0  }
0xa9: {  	_ =	task [dreg:s6], $0x5FFFF  }
0xaa: {  	[dreg:$0x1] =	wrdreg $0xFFFFFFFF  }
0xab: {  	[dreg:$0x0] =	wrdreg $0x60  }
0xac: {  	[dreg:$0x2] =	wrdreg s16  }
0xad: {  	[dreg:$0x3] =	wrdreg s0  }
0xae: {  	[dreg:$0x4] =	wrdreg s22  }
0xaf: {  	[dreg:$0x5] =	wrdreg $0x9  }
0xb0: {  	_ =	task.clear_ibuf [dreg:s6], $0x6FFFF;
	_ =	strace $0x90000046  }
0xb1: {  	s26 =	simm.s32 $0x9;
	_ =	strace $0x80000048  }
0xb2: {  	_ =	swait.ge [sflag:s26], $0x1  }
0xb3: {  	[sflag:s26] =	ssyncadd.s32 $0xFFFFFFFF  }
0xb4: {  	_ =	strace $0x90000048  }
0xb5: {  	_ =	sfence  }
0xb6: {  	s28 =	sld [smem:$0x0];
	_ =	sdelay $0x1  }
0xb7: {  	s29 =	srdreg.scid  }
0xb8: {  	s30 =	sshll.u32 s29, $0xD;
	s31 =	sshrl.u32 s29, $0x2  }
0xb9: {  	s1 =	sand.u32 $0x1, s29;
	s2 =	sand.u32 $0x4000, s30;
	s0 =	sadd.s32 s31, s28  }
0xba: {  	s1 =	sor.u32 s2, s1;
	s0 =	sshll.u32 s0, $0x11  }
0xbb: {  	s0 =	sor.u32 s0, s1  }
0xbc: {  	s0 =	sadd.s32 $0x8F2B, s0  }
0xbd: {  	[sflag:s0] =	ssyncadd.remote.s32 $0x1  }
0xbe: {  	_ =	sfence.sel $0xFFFF  }
0xbf: {  	[dreg:$0x0] =	wrdreg $0xFFFFFFFF;
	(pc) =	sbr.abs _section_cstart, $3  }
0xc0: {  	[dreg:$0x1] =	wrdreg $0xFFFFFFFF  }
0xc1: {  	_ =	task.clear_ibuf [dreg:s6], $0x2FFFF;
	_ =	strace $0x9FFFFFFF  }
0xc2: {  	(tm) =	ssettm $0x7FFFFFFF  }
0xc3: {  	_ =	shalt  }
tec
execute0_lowered:
.L_overlay_start_1:
0x0: {  	(tag) =	ssettag $0x1  }
0x1: {  	s0 =	rddreg [dreg:$0x0]  }
0x2: {  	s1 =	rddreg [dreg:$0x1];
	s3 =	stileid.u32  }
0x3: {  	s2 =	rddreg [dreg:$0x2];
	p0 =	sgt.u32 s3, $0xB  }
0x4: {  	s4 =	rddreg [dreg:$0x3];
	s5 =	simm.s32 $0x0;
	p1 =	sne.s32 @p0 s3, $0xC  }
0x5: {  	[smem:$0x7FF] =	sst s5;
	s5 =	sadd.s32 $0x18, s1;
	p1 =	por p1, !p0  }
0x6: {  	_ =	strace $0x80000047;
	s6 =	simm.s32 @!p1 $0x0;
	s7 =	simm.s32 @!p1 $0x880  }
0x7: {  	[tilespmem:s7], [sflag:$0x2] =	stream.linear.gather @!p1 [hbm4b:s5+s6], $0x8, $0x38;
	[tilespmem:$0xD00] =	vst v63  }
0x8: {  	s5 =	simm.s32 @!p1 $0x2  }
0x9: {  	_ =	swait.ge @!p1 [sflag:s5], $0x8  }
0xa: {  	[sflag:s5] =	ssyncset.done @!p1 $0x0  }
0xb: {  	s8 =	simm.s32 @!p1 $0x8;
	s9 =	simm.s32 @!p1 $0x900;
	[sflag:s5] =	ssyncadd.s32 @!p1 $0xFFFFFFF8  }
0xc: {  	[tilespmem:s9], [sflag:$0x1] =	stream.indirect.gather @!p1 [hbm4b:s0+s8], $0x80, s7, s8, $0xb8;
	[tilespmem:$0xD00] =	vst v63  }
0xd: {  	s7 =	simm.s32 @!p1 $0x1  }
0xe: {  	_ =	swait.ge @!p1 [sflag:s7], $0x400  }
0xf: {  	[sflag:s7] =	ssyncset.done @!p1 $0x0  }
0x10: {  	s8 =	sadd.s32 $0x1000, s2;
	[sflag:s7] =	ssyncadd.s32 @!p1 $0xFFFFFC00  }
0x11: {  	[hbm4b:s8+s6] =	stream.linear.scatter @!p1 [tilespmem:s9], [sflag:$0x2], $0x400, $0x38;
	[tilespmem:$0xD00] =	vst v63  }
0x12: {  	_ =	swait.ge @!p1 [sflag:s5], $0x400  }
0x13: {  	s6 =	sshll.u32 @!p0 s3, $0x1;
	[sflag:s5] =	ssyncset.done @!p1 $0x0  }
0x14: {  	s1 =	sadd.s32 @!p0 s1, s6;
	[sflag:s5] =	ssyncadd.s32 @!p1 $0xFFFFFC00;
	s5 =	simm.s32 @!p0 $0x0  }
0x15: {  	[tilespmem:s5], [sflag:$0x2] =	stream.linear.gather @!p0 [hbm4b:s1+s5], $0x10, $0x38;
	[tilespmem:$0xD00] =	vst v63  }
0x16: {  	s1 =	simm.s32 @!p0 $0x2  }
0x17: {  	_ =	swait.ge @!p0 [sflag:s1], $0x10  }
0x18: {  	[sflag:s1] =	ssyncset.done @!p0 $0x0  }
0x19: {  	s7 =	simm.s32 @!p0 $0x80;
	s6 =	simm.s32 @!p0 $0x10;
	[sflag:s1] =	ssyncadd.s32 @!p0 $0xFFFFFFF0  }
0x1a: {  	[tilespmem:s7], [sflag:$0x1] =	stream.indirect.gather @!p0 [hbm4b:s0+s6], $0x80, s5, s6, $0xb8;
	[tilespmem:$0xD00] =	vst v63  }
0x1b: {  	s0 =	simm.s32 @!p0 $0x1  }
0x1c: {  	_ =	swait.ge @!p0 [sflag:s0], $0x800  }
0x1d: {  	s2 =	sadd.s32 $0x400, s2;
	s6 =	sshll.u32 @!p0 s3, $0x8;
	[sflag:s0] =	ssyncset.done @!p0 $0x0  }
0x1e: {  	s2 =	sadd.s32 @!p0 s2, s6;
	[sflag:s0] =	ssyncadd.s32 @!p0 $0xFFFFF800  }
0x1f: {  	[hbm4b:s2+s5] =	stream.linear.scatter @!p0 [tilespmem:s7], [sflag:$0x2], $0x800, $0x38;
	[tilespmem:$0xD00] =	vst v63  }
0x20: {  	_ =	swait.ge @!p0 [sflag:s1], $0x800  }
0x21: {  	[sflag:s1] =	ssyncset.done @!p0 $0x0  }
0x22: {  	[sflag:s1] =	ssyncadd.s32 @!p0 $0xFFFFF800  }
0x23: {  	_ =	sfence.sel $0x180000  }
0x24: {  	[bflag:$0x0] =	sbarrier.arrive $0xFFFF  }
0x25: {  	p0 =	sne.s32 s3, $0x0;
	_ =	strace $0x90000047  }
0x26: {  	s0 =	sadd.s32 @!p0 $0x100000, s4;
	[bflag:$0x2] =	sbarrier.arrive $0xFFFF  }
0x27: {  	[sflag:s0] =	ssyncadd.tile.s32 @!p0 $0x1;
	_ =	shalt  }
.Lfunc_end2:
_tile_overlayer_lowered:
.L_overlay_start_2:
0x28: {  	(tag) =	ssettag $0x2  }
0x29: {  	s0 =	rddreg [dreg:$0x0];
	s2 =	stileid.u32  }
0x2a: {  	s1 =	rddreg [dreg:$0x1];
	p0 =	sne.s32 s2, $0x0  }
0x2b: {  	s3 =	rddreg [dreg:$0x2];
	[bflag:$0x3] =	sbarrier.arrive $0xFFFF;
	s2 =	simm.s32 @!p0 $0x1C02  }
0x2c: {  	[timem:s3], [sflag:s2] =	dma.local @!p0 [hbm:s0], s1  }
0x2d: {  	s0 =	simm.s32 @!p0 $0x2  }
0x2e: {  	_ =	swait.ge @!p0 [sflag:s0], s1  }
0x2f: {  	s1 =	ssub.s32 @!p0 $0x0, s1;
	[sflag:s0] =	ssyncset.done @!p0 $0x0  }
0x30: {  	[sflag:s0] =	ssyncadd.s32 @!p0 s1  }
0x31: {  	[bflag:$0x3] =	sbarrier.arrive $0xFFFF  }
0x32: {  	_ =	shalt  }

</sc_bundles>
